<compile_context>
chip_gen: v7x
topology: tpu7x:2x2x1
jax: 0.10.2.dev20260603
libtpu: 0.0.44.dev20260713+nightly
codegen_flags: <defaults>
</compile_context>

<pallas_src>
import functools

import jax
import jax.numpy as jnp
from jax import lax
from jax.experimental import pallas as pl
from jax.experimental.pallas import tpu as pltpu
from jax.experimental.pallas import tpu_sc as plsc

N = 100000
D = 128
G = 512
S = 2 * G
TRASH = S
S2 = S + 128
NC, NS = 2, 16
NW = NC * NS
L = 16
GRP = 128
FULL = N // GRP
TAIL = N - FULL * GRP
LASTBASE = N - GRP
VS_TAIL = GRP - TAIL
NGRP = FULL + (1 if TAIL else 0)
K = (NGRP + NW - 1) // NW
ZR = S2 // NS
ZB = 24
NBUF = 3


def _sc_body(out_hbm, z_hbm, b_hbm, part_hbm, cnt_hbm,
             acc, rows0, rows1, rows2, zb0, zb1, zb2, idx0, idx1, idx2,
             cnt_v, cnt_red, zero_v, sem0, sem1, sem2, ssem0, ssem1, ssem2,
             zsem):
    cid = lax.axis_index("c")
    sid = lax.axis_index("s")
    wid = sid * NC + cid
    lanes = lax.iota(jnp.int32, L)
    ones = jnp.ones((L,), jnp.float32)

    bufs = ((zb0, rows0, sem0, idx0, ssem0),
            (zb1, rows1, sem1, idx1, ssem1),
            (zb2, rows2, sem2, idx2, ssem2))

    def _base(k):
        g = wid + NW * k
        return g, pl.multiple_of(
            jnp.where(g < FULL, g * GRP, jnp.int32(LASTBASE)), 8)

    def _start(k, buf):
        zb_b, rows_b, sem_b = buf[0], buf[1], buf[2]
        _, base = _base(k)
        pltpu.async_copy(z_hbm.at[pl.ds(base, GRP)], zb_b.at[0], sem_b)
        pltpu.async_copy(b_hbm.at[pl.ds(base, GRP)], zb_b.at[1], sem_b)
        pltpu.async_copy(out_hbm.at[pl.ds(base, GRP)], rows_b, sem_b)

    for b in range(NBUF):
        _start(b, bufs[b])

    def _fill_zero(i, _):
        for j in range(D // L):
            zero_v[i, pl.ds(j * L, L)] = jnp.zeros((L,), jnp.float32)
        return 0
    lax.fori_loop(0, ZB, _fill_zero, 0)

    def _fill_cnt(i, _):
        for r in range(L):
            cnt_v[r, pl.ds(i * L, L)] = jnp.zeros((L,), jnp.float32)
        return 0
    lax.fori_loop(0, S2 // L, _fill_cnt, 0)

    for t in range(ZR // ZB):
        pltpu.async_copy(zero_v, acc.at[pl.ds(sid * ZR + t * ZB, ZB)],
                         zsem)
    for t in range(ZR // ZB):
        pltpu.make_async_copy(zero_v, acc.at[pl.ds(t * ZB, ZB)],
                              zsem).wait()
    plsc.subcore_barrier()

    def _wait_inputs(buf):
        zb_b, rows_b, sem_b = buf[0], buf[1], buf[2]
        pltpu.make_async_copy(z_hbm.at[pl.ds(0, GRP)], zb_b.at[0],
                              sem_b).wait()
        pltpu.make_async_copy(b_hbm.at[pl.ds(0, GRP)], zb_b.at[1],
                              sem_b).wait()
        pltpu.make_async_copy(out_hbm.at[pl.ds(0, GRP)], rows_b,
                              sem_b).wait()

    def _indices(k, buf):
        zb_b, idx_b = buf[0], buf[3]
        g = wid + NW * k
        vs = jnp.where(g < FULL, jnp.int32(0),
                       jnp.where(g == FULL, jnp.int32(VS_TAIL),
                                 jnp.int32(GRP)))
        for j in range(GRP // L):
            zz = zb_b[0, pl.ds(j * L, L)]
            bb = zb_b[1, pl.ds(j * L, L)]
            slot = bb + jnp.where(zz == jnp.int32(100), jnp.int32(G),
                                  jnp.int32(0))
            slot = jnp.where(j * L + lanes >= vs, slot, jnp.int32(TRASH))
            idx_b[0, pl.ds(j * L, L)] = slot
            plsc.addupdate_scatter(cnt_v, [lanes, slot], ones)

    def _wait_scatter(buf):
        _, rows_b, _, idx_b, ssem_b = buf
        pltpu.make_async_copy(rows_b, acc.at[idx_b.at[0]], ssem_b).wait()

    def _round(kk, _):
        for b in range(NBUF):
            k = NBUF * kk + b
            buf = bufs[b]
            prev = bufs[(b + NBUF - 1) % NBUF]

            @pl.when(k < K)
            def _():
                _wait_inputs(buf)
                _indices(k, buf)
                pltpu.async_copy(buf[1], acc.at[buf[3].at[0]], buf[4],
                                 add=True)

                @pl.when(k >= 1)
                def _():
                    _wait_scatter(prev)

                @pl.when((k >= 1) & (k + NBUF - 1 < K))
                def _():
                    _start(k + NBUF - 1, prev)
        return 0
    lax.fori_loop(0, (K + NBUF - 1) // NBUF, _round, 0)
    _wait_scatter(bufs[(K - 1) % NBUF])

    plsc.subcore_barrier()
    def _red_cnt(i, _):
        tot = cnt_v[0, pl.ds(i * L, L)]
        for r in range(1, L):
            tot = tot + cnt_v[r, pl.ds(i * L, L)]
        cnt_red[pl.ds(i * L, L)] = tot
        return 0
    lax.fori_loop(0, S2 // L, _red_cnt, 0)
    pltpu.sync_copy(acc.at[pl.ds(sid * ZR, ZR)],
                    part_hbm.at[cid, pl.ds(sid * ZR, ZR)])
    pltpu.sync_copy(cnt_red, cnt_hbm.at[wid])


_sc_pool = functools.partial(
    pl.kernel,
    out_type=(jax.ShapeDtypeStruct((NC, S2, D), jnp.float32),
              jax.ShapeDtypeStruct((NW, S2), jnp.float32)),
    mesh=plsc.VectorSubcoreMesh(core_axis_name="c", subcore_axis_name="s",
                                num_cores=NC, num_subcores=NS),
    compiler_params=pltpu.CompilerParams(needs_layout_passes=False),
    scratch_types=[
        pltpu.VMEM_SHARED((S2, D), jnp.float32),
        pltpu.VMEM((GRP, D), jnp.float32),
        pltpu.VMEM((GRP, D), jnp.float32),
        pltpu.VMEM((GRP, D), jnp.float32),
        pltpu.VMEM((2, GRP), jnp.int32),
        pltpu.VMEM((2, GRP), jnp.int32),
        pltpu.VMEM((2, GRP), jnp.int32),
        pltpu.VMEM((1, GRP), jnp.int32),
        pltpu.VMEM((1, GRP), jnp.int32),
        pltpu.VMEM((1, GRP), jnp.int32),
        pltpu.VMEM((L, S2), jnp.float32),
        pltpu.VMEM((S2,), jnp.float32),
        pltpu.VMEM((ZB, D), jnp.float32),
        pltpu.SemaphoreType.DMA,
        pltpu.SemaphoreType.DMA,
        pltpu.SemaphoreType.DMA,
        pltpu.SemaphoreType.DMA,
        pltpu.SemaphoreType.DMA,
        pltpu.SemaphoreType.DMA,
        pltpu.SemaphoreType.DMA,
    ],
)(_sc_body)


def _fin_body(p_ref, c_ref, o_ref):
    sums = p_ref[0] + p_ref[1]
    cnts = jnp.sum(c_ref[...], axis=0)
    denom = jnp.maximum(cnts, 1.0)[:, None]
    means = sums / denom
    o_ref[:, :D] = means[:G]
    o_ref[:, D:] = means[G:S]


def kernel(out, z, batch):
    part, cnts = _sc_pool(out, z.astype(jnp.int32), batch.astype(jnp.int32))
    return pl.pallas_call(
        _fin_body,
        out_shape=jax.ShapeDtypeStruct((G, 2 * D), jnp.float32),
    )(part, cnts)

# --- scband reference (transcript-rebuilt; emitter-appended) ---
"""Pipeline reference for scband-real-virtual-pooling-45535243272773 (READ-ONLY COPY).

The authoritative reference and input builder live on the scoring server;
editing this copy changes nothing except your own understanding.
"""

import jax, jax.numpy as jnp
import numpy as np

NUM_GRAPHS = 512

def setup_inputs(seed: int = 0) -> dict:
    key = jax.random.key(seed)
    k1, k2, k3 = jax.random.split(key, 3)
    out = jax.random.normal(k1, (100000, 128), dtype=jnp.float32)
    z = jax.random.randint(k2, (100000,), 0, 101, dtype=jnp.int64) if jax.config.jax_enable_x64 else jax.random.randint(k2, (100000,), 0, 101, dtype=jnp.int32)
    batch = jnp.sort(jax.random.randint(k3, (100000,), 0, NUM_GRAPHS, dtype=jnp.int32))
    return {"out": out, "z": z, "batch": batch}

def _masked_mean_pool(x, batch, mask, num_segments):
    # Equivalent to torch_geometric global_mean_pool applied to
    # index_select(x, 0, argwhere(mask)) with the corresponding batch ids.
    m = mask.astype(x.dtype)
    sums = jax.ops.segment_sum(x * m[:, None], batch, num_segments=num_segments)
    counts = jax.ops.segment_sum(m, batch, num_segments=num_segments)
    return sums / jnp.maximum(counts, 1.0)[:, None]

def reference(out, z, batch):
    # pool_choice == 'both': pool real (z != 100) and virtual (z == 100)
    # nodes separately per graph, then concatenate along feature dim.
    real_mask = (z != 100)
    virtual_mask = (z == 100)
    out_real = _masked_mean_pool(out, batch, real_mask, NUM_GRAPHS)
    out_virtual = _masked_mean_pool(out, batch, virtual_mask, NUM_GRAPHS)
    return jnp.concatenate((out_real, out_virtual), axis=1)

if __name__ == "__main__":
    import jax
    _d = setup_inputs()
    print(jax.jit(kernel)(*tuple(_d.values())))

</pallas_src>

<mosaic_0001>
#map = affine_map<(d0, d1) -> (0, 0)>
#map1 = affine_map<(d0, d1) -> (0)>
#map2 = affine_map<(d0, d1) -> (0, 0, 0)>
module attributes {stable_mosaic.version = 14 : i64} {
  func.func @_sc_body(%arg0: i32, %arg1: i32, %arg2: memref<100000x128xf32, #tpu.memory_space<hbm>>, %arg3: memref<100000xi32, #tpu.memory_space<hbm>>, %arg4: memref<100000xi32, #tpu.memory_space<hbm>>, %arg5: memref<2x1152x128xf32, #tpu.memory_space<hbm>>, %arg6: memref<32x1152xf32, #tpu.memory_space<hbm>>, %arg7: memref<1152x128xf32, #tpu.memory_space<vmem_shared>>, %arg8: memref<128x128xf32, #tpu.memory_space<vmem>>, %arg9: memref<128x128xf32, #tpu.memory_space<vmem>>, %arg10: memref<128x128xf32, #tpu.memory_space<vmem>>, %arg11: memref<2x128xi32, #tpu.memory_space<vmem>>, %arg12: memref<2x128xi32, #tpu.memory_space<vmem>>, %arg13: memref<2x128xi32, #tpu.memory_space<vmem>>, %arg14: memref<1x128xi32, #tpu.memory_space<vmem>>, %arg15: memref<1x128xi32, #tpu.memory_space<vmem>>, %arg16: memref<1x128xi32, #tpu.memory_space<vmem>>, %arg17: memref<16x1152xf32, #tpu.memory_space<vmem>>, %arg18: memref<1152xf32, #tpu.memory_space<vmem>>, %arg19: memref<24x128xf32, #tpu.memory_space<vmem>>, %arg20: memref<!tpu.dma_semaphore, #tpu.memory_space<semaphore_mem>>, %arg21: memref<!tpu.dma_semaphore, #tpu.memory_space<semaphore_mem>>, %arg22: memref<!tpu.dma_semaphore, #tpu.memory_space<semaphore_mem>>, %arg23: memref<!tpu.dma_semaphore, #tpu.memory_space<semaphore_mem>>, %arg24: memref<!tpu.dma_semaphore, #tpu.memory_space<semaphore_mem>>, %arg25: memref<!tpu.dma_semaphore, #tpu.memory_space<semaphore_mem>>, %arg26: memref<!tpu.dma_semaphore, #tpu.memory_space<semaphore_mem>>) attributes {dimension_semantics = [#tpu.dimension_semantics<core_parallel>, #tpu.dimension_semantics<subcore_parallel>], iteration_bounds = array<i64: 2, 16>, scalar_prefetch = 0 : i64, scratch_operands = 20 : i64, tpu.core_type = #tpu.core_type<sc_vector_subcore>, window_params = [{transform_indices = #map}, {transform_indices = #map1}, {transform_indices = #map1}, {transform_indices = #map2}, {transform_indices = #map}]} {
    %mul3A = arith.constant 2 : i32
    %mul3A_0 = arith.muli %arg1, %mul3A : i32
    %add3A = arith.addi %mul3A_0, %arg0 : i32
    %iota3A = tpu.iota {dimensions = array<i32: 0>} : vector<16xi32>
    %broadcast_in_dim3A = arith.constant 1.000000e+00 : f32
    %broadcast_in_dim3A_1 = vector.broadcast %broadcast_in_dim3A : f32 to vector<16xf32>
    %add3A_2 = arith.constant 0 : i32
    %add3A_3 = arith.addi %add3A, %add3A_2 : i32
    %lt3A = arith.constant 781 : i32
    %lt3A_4 = arith.cmpi slt, %add3A_3, %lt3A : i32
    %mul3A_5 = arith.constant 128 : i32
    %mul3A_6 = arith.muli %add3A_3, %mul3A_5 : i32
    %jit3A = arith.constant 99872 : i32
    %select_n3A = arith.select %lt3A_4, %mul3A_6, %jit3A : i32
    %multiple_of3A = tpu.assume_multiple %select_n3A, 8 : i32
    %dma_start3A = arith.constant 0 : i32
    %dma_start3A_7 = arith.constant 0 : i32
    %dma_start3A_8 = tpu.memref_slice %arg11[%dma_start3A, %dma_start3A_7] : memref<2x128xi32, #tpu.memory_space<vmem>> -> memref<1x128xi32, #tpu.memory_space<vmem>>
    %dma_start3A_9 = tpu.memref_squeeze %dma_start3A_8 : memref<1x128xi32, #tpu.memory_space<vmem>> -> memref<128xi32, #tpu.memory_space<vmem>>
    %dma_start3A_10 = tpu.memref_slice %arg3[%multiple_of3A] : memref<100000xi32, #tpu.memory_space<hbm>> -> memref<128xi32, #tpu.memory_space<hbm>>
    %dma_start3A_11 = arith.constant 0 : i32
    %dma_start3A_12 = tpu.memref_slice %arg11[%dma_start3A, %dma_start3A_11] : memref<2x128xi32, #tpu.memory_space<vmem>> -> memref<1x128xi32, #tpu.memory_space<vmem>>
    %dma_start3A_13 = tpu.memref_squeeze %dma_start3A_12 : memref<1x128xi32, #tpu.memory_space<vmem>> -> memref<128xi32, #tpu.memory_space<vmem>>
    %dma_start3A_14 = tpu.memref_slice %arg3[%multiple_of3A] : memref<100000xi32, #tpu.memory_space<hbm>> -> memref<128xi32, #tpu.memory_space<hbm>>
    tpu.enqueue_dma source(%dma_start3A_14 : memref<128xi32, #tpu.memory_space<hbm>>) target(%dma_start3A_13 : memref<128xi32, #tpu.memory_space<vmem>>) target_semaphore(%arg20 : memref<!tpu.dma_semaphore, #tpu.memory_space<semaphore_mem>>)
    %dma_start3A_15 = arith.constant 1 : i32
    %dma_start3A_16 = arith.constant 0 : i32
    %dma_start3A_17 = tpu.memref_slice %arg11[%dma_start3A_15, %dma_start3A_16] : memref<2x128xi32, #tpu.memory_space<vmem>> -> memref<1x128xi32, #tpu.memory_space<vmem>>
    %dma_start3A_18 = tpu.memref_squeeze %dma_start3A_17 : memref<1x128xi32, #tpu.memory_space<vmem>> -> memref<128xi32, #tpu.memory_space<vmem>>
    %dma_start3A_19 = tpu.memref_slice %arg4[%multiple_of3A] : memref<100000xi32, #tpu.memory_space<hbm>> -> memref<128xi32, #tpu.memory_space<hbm>>
    %dma_start3A_20 = arith.constant 0 : i32
    %dma_start3A_21 = tpu.memref_slice %arg11[%dma_start3A_15, %dma_start3A_20] : memref<2x128xi32, #tpu.memory_space<vmem>> -> memref<1x128xi32, #tpu.memory_space<vmem>>
    %dma_start3A_22 = tpu.memref_squeeze %dma_start3A_21 : memref<1x128xi32, #tpu.memory_space<vmem>> -> memref<128xi32, #tpu.memory_space<vmem>>
    %dma_start3A_23 = tpu.memref_slice %arg4[%multiple_of3A] : memref<100000xi32, #tpu.memory_space<hbm>> -> memref<128xi32, #tpu.memory_space<hbm>>
    tpu.enqueue_dma source(%dma_start3A_23 : memref<128xi32, #tpu.memory_space<hbm>>) target(%dma_start3A_22 : memref<128xi32, #tpu.memory_space<vmem>>) target_semaphore(%arg20 : memref<!tpu.dma_semaphore, #tpu.memory_space<semaphore_mem>>)
    %dma_start3A_24 = arith.constant 0 : i32
    %dma_start3A_25 = tpu.memref_slice %arg2[%multiple_of3A, %dma_start3A_24] : memref<100000x128xf32, #tpu.memory_space<hbm>> -> memref<128x128xf32, #tpu.memory_space<hbm>>
    %dma_start3A_26 = arith.constant 0 : i32
    %dma_start3A_27 = tpu.memref_slice %arg2[%multiple_of3A, %dma_start3A_26] : memref<100000x128xf32, #tpu.memory_space<hbm>> -> memref<128x128xf32, #tpu.memory_space<hbm>>
    tpu.enqueue_dma source(%dma_start3A_27 : memref<128x128xf32, #tpu.memory_space<hbm>>) target(%arg8 : memref<128x128xf32, #tpu.memory_space<vmem>>) target_semaphore(%arg20 : memref<!tpu.dma_semaphore, #tpu.memory_space<semaphore_mem>>)
    %add3A_28 = arith.constant 32 : i32
    %add3A_29 = arith.addi %add3A, %add3A_28 : i32
    %lt3A_30 = arith.constant 781 : i32
    %lt3A_31 = arith.cmpi slt, %add3A_29, %lt3A_30 : i32
    %mul3A_32 = arith.constant 128 : i32
    %mul3A_33 = arith.muli %add3A_29, %mul3A_32 : i32
    %jit3A_34 = arith.constant 99872 : i32
    %select_n3A_35 = arith.select %lt3A_31, %mul3A_33, %jit3A_34 : i32
    %multiple_of3A_36 = tpu.assume_multiple %select_n3A_35, 8 : i32
    %dma_start3A_37 = arith.constant 0 : i32
    %dma_start3A_38 = arith.constant 0 : i32
    %dma_start3A_39 = tpu.memref_slice %arg12[%dma_start3A_37, %dma_start3A_38] : memref<2x128xi32, #tpu.memory_space<vmem>> -> memref<1x128xi32, #tpu.memory_space<vmem>>
    %dma_start3A_40 = tpu.memref_squeeze %dma_start3A_39 : memref<1x128xi32, #tpu.memory_space<vmem>> -> memref<128xi32, #tpu.memory_space<vmem>>
    %dma_start3A_41 = tpu.memref_slice %arg3[%multiple_of3A_36] : memref<100000xi32, #tpu.memory_space<hbm>> -> memref<128xi32, #tpu.memory_space<hbm>>
    %dma_start3A_42 = arith.constant 0 : i32
    %dma_start3A_43 = tpu.memref_slice %arg12[%dma_start3A_37, %dma_start3A_42] : memref<2x128xi32, #tpu.memory_space<vmem>> -> memref<1x128xi32, #tpu.memory_space<vmem>>
    %dma_start3A_44 = tpu.memref_squeeze %dma_start3A_43 : memref<1x128xi32, #tpu.memory_space<vmem>> -> memref<128xi32, #tpu.memory_space<vmem>>
    %dma_start3A_45 = tpu.memref_slice %arg3[%multiple_of3A_36] : memref<100000xi32, #tpu.memory_space<hbm>> -> memref<128xi32, #tpu.memory_space<hbm>>
    tpu.enqueue_dma source(%dma_start3A_45 : memref<128xi32, #tpu.memory_space<hbm>>) target(%dma_start3A_44 : memref<128xi32, #tpu.memory_space<vmem>>) target_semaphore(%arg21 : memref<!tpu.dma_semaphore, #tpu.memory_space<semaphore_mem>>)
    %dma_start3A_46 = arith.constant 1 : i32
    %dma_start3A_47 = arith.constant 0 : i32
    %dma_start3A_48 = tpu.memref_slice %arg12[%dma_start3A_46, %dma_start3A_47] : memref<2x128xi32, #tpu.memory_space<vmem>> -> memref<1x128xi32, #tpu.memory_space<vmem>>
    %dma_start3A_49 = tpu.memref_squeeze %dma_start3A_48 : memref<1x128xi32, #tpu.memory_space<vmem>> -> memref<128xi32, #tpu.memory_space<vmem>>
    %dma_start3A_50 = tpu.memref_slice %arg4[%multiple_of3A_36] : memref<100000xi32, #tpu.memory_space<hbm>> -> memref<128xi32, #tpu.memory_space<hbm>>
    %dma_start3A_51 = arith.constant 0 : i32
    %dma_start3A_52 = tpu.memref_slice %arg12[%dma_start3A_46, %dma_start3A_51] : memref<2x128xi32, #tpu.memory_space<vmem>> -> memref<1x128xi32, #tpu.memory_space<vmem>>
    %dma_start3A_53 = tpu.memref_squeeze %dma_start3A_52 : memref<1x128xi32, #tpu.memory_space<vmem>> -> memref<128xi32, #tpu.memory_space<vmem>>
    %dma_start3A_54 = tpu.memref_slice %arg4[%multiple_of3A_36] : memref<100000xi32, #tpu.memory_space<hbm>> -> memref<128xi32, #tpu.memory_space<hbm>>
    tpu.enqueue_dma source(%dma_start3A_54 : memref<128xi32, #tpu.memory_space<hbm>>) target(%dma_start3A_53 : memref<128xi32, #tpu.memory_space<vmem>>) target_semaphore(%arg21 : memref<!tpu.dma_semaphore, #tpu.memory_space<semaphore_mem>>)
    %dma_start3A_55 = arith.constant 0 : i32
    %dma_start3A_56 = tpu.memref_slice %arg2[%multiple_of3A_36, %dma_start3A_55] : memref<100000x128xf32, #tpu.memory_space<hbm>> -> memref<128x128xf32, #tpu.memory_space<hbm>>
    %dma_start3A_57 = arith.constant 0 : i32
    %dma_start3A_58 = tpu.memref_slice %arg2[%multiple_of3A_36, %dma_start3A_57] : memref<100000x128xf32, #tpu.memory_space<hbm>> -> memref<128x128xf32, #tpu.memory_space<hbm>>
    tpu.enqueue_dma source(%dma_start3A_58 : memref<128x128xf32, #tpu.memory_space<hbm>>) target(%arg9 : memref<128x128xf32, #tpu.memory_space<vmem>>) target_semaphore(%arg21 : memref<!tpu.dma_semaphore, #tpu.memory_space<semaphore_mem>>)
    %add3A_59 = arith.constant 64 : i32
    %add3A_60 = arith.addi %add3A, %add3A_59 : i32
    %lt3A_61 = arith.constant 781 : i32
    %lt3A_62 = arith.cmpi slt, %add3A_60, %lt3A_61 : i32
    %mul3A_63 = arith.constant 128 : i32
    %mul3A_64 = arith.muli %add3A_60, %mul3A_63 : i32
    %jit3A_65 = arith.constant 99872 : i32
    %select_n3A_66 = arith.select %lt3A_62, %mul3A_64, %jit3A_65 : i32
    %multiple_of3A_67 = tpu.assume_multiple %select_n3A_66, 8 : i32
    %dma_start3A_68 = arith.constant 0 : i32
    %dma_start3A_69 = arith.constant 0 : i32
    %dma_start3A_70 = tpu.memref_slice %arg13[%dma_start3A_68, %dma_start3A_69] : memref<2x128xi32, #tpu.memory_space<vmem>> -> memref<1x128xi32, #tpu.memory_space<vmem>>
    %dma_start3A_71 = tpu.memref_squeeze %dma_start3A_70 : memref<1x128xi32, #tpu.memory_space<vmem>> -> memref<128xi32, #tpu.memory_space<vmem>>
    %dma_start3A_72 = tpu.memref_slice %arg3[%multiple_of3A_67] : memref<100000xi32, #tpu.memory_space<hbm>> -> memref<128xi32, #tpu.memory_space<hbm>>
    %dma_start3A_73 = arith.constant 0 : i32
    %dma_start3A_74 = tpu.memref_slice %arg13[%dma_start3A_68, %dma_start3A_73] : memref<2x128xi32, #tpu.memory_space<vmem>> -> memref<1x128xi32, #tpu.memory_space<vmem>>
    %dma_start3A_75 = tpu.memref_squeeze %dma_start3A_74 : memref<1x128xi32, #tpu.memory_space<vmem>> -> memref<128xi32, #tpu.memory_space<vmem>>
    %dma_start3A_76 = tpu.memref_slice %arg3[%multiple_of3A_67] : memref<100000xi32, #tpu.memory_space<hbm>> -> memref<128xi32, #tpu.memory_space<hbm>>
    tpu.enqueue_dma source(%dma_start3A_76 : memref<128xi32, #tpu.memory_space<hbm>>) target(%dma_start3A_75 : memref<128xi32, #tpu.memory_space<vmem>>) target_semaphore(%arg22 : memref<!tpu.dma_semaphore, #tpu.memory_space<semaphore_mem>>)
    %dma_start3A_77 = arith.constant 1 : i32
    %dma_start3A_78 = arith.constant 0 : i32
    %dma_start3A_79 = tpu.memref_slice %arg13[%dma_start3A_77, %dma_start3A_78] : memref<2x128xi32, #tpu.memory_space<vmem>> -> memref<1x128xi32, #tpu.memory_space<vmem>>
    %dma_start3A_80 = tpu.memref_squeeze %dma_start3A_79 : memref<1x128xi32, #tpu.memory_space<vmem>> -> memref<128xi32, #tpu.memory_space<vmem>>
    %dma_start3A_81 = tpu.memref_slice %arg4[%multiple_of3A_67] : memref<100000xi32, #tpu.memory_space<hbm>> -> memref<128xi32, #tpu.memory_space<hbm>>
    %dma_start3A_82 = arith.constant 0 : i32
    %dma_start3A_83 = tpu.memref_slice %arg13[%dma_start3A_77, %dma_start3A_82] : memref<2x128xi32, #tpu.memory_space<vmem>> -> memref<1x128xi32, #tpu.memory_space<vmem>>
    %dma_start3A_84 = tpu.memref_squeeze %dma_start3A_83 : memref<1x128xi32, #tpu.memory_space<vmem>> -> memref<128xi32, #tpu.memory_space<vmem>>
    %dma_start3A_85 = tpu.memref_slice %arg4[%multiple_of3A_67] : memref<100000xi32, #tpu.memory_space<hbm>> -> memref<128xi32, #tpu.memory_space<hbm>>
    tpu.enqueue_dma source(%dma_start3A_85 : memref<128xi32, #tpu.memory_space<hbm>>) target(%dma_start3A_84 : memref<128xi32, #tpu.memory_space<vmem>>) target_semaphore(%arg22 : memref<!tpu.dma_semaphore, #tpu.memory_space<semaphore_mem>>)
    %dma_start3A_86 = arith.constant 0 : i32
    %dma_start3A_87 = tpu.memref_slice %arg2[%multiple_of3A_67, %dma_start3A_86] : memref<100000x128xf32, #tpu.memory_space<hbm>> -> memref<128x128xf32, #tpu.memory_space<hbm>>
    %dma_start3A_88 = arith.constant 0 : i32
    %dma_start3A_89 = tpu.memref_slice %arg2[%multiple_of3A_67, %dma_start3A_88] : memref<100000x128xf32, #tpu.memory_space<hbm>> -> memref<128x128xf32, #tpu.memory_space<hbm>>
    tpu.enqueue_dma source(%dma_start3A_89 : memref<128x128xf32, #tpu.memory_space<hbm>>) target(%arg10 : memref<128x128xf32, #tpu.memory_space<vmem>>) target_semaphore(%arg22 : memref<!tpu.dma_semaphore, #tpu.memory_space<semaphore_mem>>)
    %scan3A = arith.constant 0 : i32
    %scan3A_90 = arith.constant 0 : i32
    %scan3A_91 = arith.constant 24 : i32
    %scan3A_92 = arith.addi %scan3A_90, %scan3A_91 : i32
    %scan3A_93 = arith.constant 1 : i32
    %scan3A_94 = scf.for %scan3A_170 = %scan3A_90 to %scan3A_92 step %scan3A_93 iter_args(%scan3A_171 = %scan3A) -> (i32)  : i32 {
      %broadcast_in_dim3A_172 = arith.constant 0.000000e+00 : f32
      %broadcast_in_dim3A_173 = vector.broadcast %broadcast_in_dim3A_172 : f32 to vector<16xf32>
      %swap3A = arith.index_cast %scan3A_170 : i32 to index
      %swap3A_174 = arith.constant 0 : index
      %swap3A_175 = tpu.vector_load %arg19[%swap3A, %swap3A_174] {strides = array<i32>} : memref<24x128xf32, #tpu.memory_space<vmem>>, vector<16xf32>,
      tpu.vector_store %arg19[%swap3A, %swap3A_174], %broadcast_in_dim3A_173 {strides = array<i32>} : memref<24x128xf32, #tpu.memory_space<vmem>>, vector<16xf32>,
      %broadcast_in_dim3A_176 = arith.constant 0.000000e+00 : f32
      %broadcast_in_dim3A_177 = vector.broadcast %broadcast_in_dim3A_176 : f32 to vector<16xf32>
      %swap3A_178 = arith.index_cast %scan3A_170 : i32 to index
      %swap3A_179 = arith.constant 16 : index
      %swap3A_180 = tpu.vector_load %arg19[%swap3A_178, %swap3A_179] {strides = array<i32>} : memref<24x128xf32, #tpu.memory_space<vmem>>, vector<16xf32>,
      tpu.vector_store %arg19[%swap3A_178, %swap3A_179], %broadcast_in_dim3A_177 {strides = array<i32>} : memref<24x128xf32, #tpu.memory_space<vmem>>, vector<16xf32>,
      %broadcast_in_dim3A_181 = arith.constant 0.000000e+00 : f32
      %broadcast_in_dim3A_182 = vector.broadcast %broadcast_in_dim3A_181 : f32 to vector<16xf32>
      %swap3A_183 = arith.index_cast %scan3A_170 : i32 to index
      %swap3A_184 = arith.constant 32 : index
      %swap3A_185 = tpu.vector_load %arg19[%swap3A_183, %swap3A_184] {strides = array<i32>} : memref<24x128xf32, #tpu.memory_space<vmem>>, vector<16xf32>,
      tpu.vector_store %arg19[%swap3A_183, %swap3A_184], %broadcast_in_dim3A_182 {strides = array<i32>} : memref<24x128xf32, #tpu.memory_space<vmem>>, vector<16xf32>,
      %broadcast_in_dim3A_186 = arith.constant 0.000000e+00 : f32
      %broadcast_in_dim3A_187 = vector.broadcast %broadcast_in_dim3A_186 : f32 to vector<16xf32>
      %swap3A_188 = arith.index_cast %scan3A_170 : i32 to index
      %swap3A_189 = arith.constant 48 : index
      %swap3A_190 = tpu.vector_load %arg19[%swap3A_188, %swap3A_189] {strides = array<i32>} : memref<24x128xf32, #tpu.memory_space<vmem>>, vector<16xf32>,
      tpu.vector_store %arg19[%swap3A_188, %swap3A_189], %broadcast_in_dim3A_187 {strides = array<i32>} : memref<24x128xf32, #tpu.memory_space<vmem>>, vector<16xf32>,
      %broadcast_in_dim3A_191 = arith.constant 0.000000e+00 : f32
      %broadcast_in_dim3A_192 = vector.broadcast %broadcast_in_dim3A_191 : f32 to vector<16xf32>
      %swap3A_193 = arith.index_cast %scan3A_170 : i32 to index
      %swap3A_194 = arith.constant 64 : index
      %swap3A_195 = tpu.vector_load %arg19[%swap3A_193, %swap3A_194] {strides = array<i32>} : memref<24x128xf32, #tpu.memory_space<vmem>>, vector<16xf32>,
      tpu.vector_store %arg19[%swap3A_193, %swap3A_194], %broadcast_in_dim3A_192 {strides = array<i32>} : memref<24x128xf32, #tpu.memory_space<vmem>>, vector<16xf32>,
      %broadcast_in_dim3A_196 = arith.constant 0.000000e+00 : f32
      %broadcast_in_dim3A_197 = vector.broadcast %broadcast_in_dim3A_196 : f32 to vector<16xf32>
      %swap3A_198 = arith.index_cast %scan3A_170 : i32 to index
      %swap3A_199 = arith.constant 80 : index
      %swap3A_200 = tpu.vector_load %arg19[%swap3A_198, %swap3A_199] {strides = array<i32>} : memref<24x128xf32, #tpu.memory_space<vmem>>, vector<16xf32>,
      tpu.vector_store %arg19[%swap3A_198, %swap3A_199], %broadcast_in_dim3A_197 {strides = array<i32>} : memref<24x128xf32, #tpu.memory_space<vmem>>, vector<16xf32>,
      %broadcast_in_dim3A_201 = arith.constant 0.000000e+00 : f32
      %broadcast_in_dim3A_202 = vector.broadcast %broadcast_in_dim3A_201 : f32 to vector<16xf32>
      %swap3A_203 = arith.index_cast %scan3A_170 : i32 to index
      %swap3A_204 = arith.constant 96 : index
      %swap3A_205 = tpu.vector_load %arg19[%swap3A_203, %swap3A_204] {strides = array<i32>} : memref<24x128xf32, #tpu.memory_space<vmem>>, vector<16xf32>,
      tpu.vector_store %arg19[%swap3A_203, %swap3A_204], %broadcast_in_dim3A_202 {strides = array<i32>} : memref<24x128xf32, #tpu.memory_space<vmem>>, vector<16xf32>,
      %broadcast_in_dim3A_206 = arith.constant 0.000000e+00 : f32
      %broadcast_in_dim3A_207 = vector.broadcast %broadcast_in_dim3A_206 : f32 to vector<16xf32>
      %swap3A_208 = arith.index_cast %scan3A_170 : i32 to index
      %swap3A_209 = arith.constant 112 : index
      %swap3A_210 = tpu.vector_load %arg19[%swap3A_208, %swap3A_209] {strides = array<i32>} : memref<24x128xf32, #tpu.memory_space<vmem>>, vector<16xf32>,
      tpu.vector_store %arg19[%swap3A_208, %swap3A_209], %broadcast_in_dim3A_207 {strides = array<i32>} : memref<24x128xf32, #tpu.memory_space<vmem>>, vector<16xf32>,
      %scan3A_211 = arith.constant 0 : i32
      scf.yield %scan3A_211 : i32
    }
    %scan3A_95 = arith.constant 24 : i32
    %scan3A_96 = arith.constant 0 : i32
    %scan3A_97 = arith.constant 0 : i32
    %scan3A_98 = arith.constant 72 : i32
    %scan3A_99 = arith.addi %scan3A_97, %scan3A_98 : i32
    %scan3A_100 = arith.constant 1 : i32
    %scan3A_101 = scf.for %scan3A_170 = %scan3A_97 to %scan3A_99 step %scan3A_100 iter_args(%scan3A_171 = %scan3A_96) -> (i32)  : i32 {
      %broadcast_in_dim3A_172 = arith.constant 0.000000e+00 : f32
      %broadcast_in_dim3A_173 = vector.broadcast %broadcast_in_dim3A_172 : f32 to vector<16xf32>
      %mul3A_174 = arith.constant 16 : i32
      %mul3A_175 = arith.muli %scan3A_170, %mul3A_174 : i32
      %swap3A = arith.constant 0 : i32
      %swap3A_176 = arith.index_cast %swap3A : i32 to index
      %swap3A_177 = arith.index_cast %mul3A_175 : i32 to index
      %swap3A_178 = tpu.vector_load %arg17[%swap3A_176, %swap3A_177] {strides = array<i32>} : memref<16x1152xf32, #tpu.memory_space<vmem>>, vector<16xf32>,
      tpu.vector_store %arg17[%swap3A_176, %swap3A_177], %broadcast_in_dim3A_173 {strides = array<i32>} : memref<16x1152xf32, #tpu.memory_space<vmem>>, vector<16xf32>,
      %broadcast_in_dim3A_179 = arith.constant 0.000000e+00 : f32
      %broadcast_in_dim3A_180 = vector.broadcast %broadcast_in_dim3A_179 : f32 to vector<16xf32>
      %mul3A_181 = arith.constant 16 : i32
      %mul3A_182 = arith.muli %scan3A_170, %mul3A_181 : i32
      %swap3A_183 = arith.constant 1 : i32
      %swap3A_184 = arith.index_cast %swap3A_183 : i32 to index
      %swap3A_185 = arith.index_cast %mul3A_182 : i32 to index
      %swap3A_186 = tpu.vector_load %arg17[%swap3A_184, %swap3A_185] {strides = array<i32>} : memref<16x1152xf32, #tpu.memory_space<vmem>>, vector<16xf32>,
      tpu.vector_store %arg17[%swap3A_184, %swap3A_185], %broadcast_in_dim3A_180 {strides = array<i32>} : memref<16x1152xf32, #tpu.memory_space<vmem>>, vector<16xf32>,
      %broadcast_in_dim3A_187 = arith.constant 0.000000e+00 : f32
      %broadcast_in_dim3A_188 = vector.broadcast %broadcast_in_dim3A_187 : f32 to vector<16xf32>
      %mul3A_189 = arith.constant 16 : i32
      %mul3A_190 = arith.muli %scan3A_170, %mul3A_189 : i32
      %swap3A_191 = arith.constant 2 : i32
      %swap3A_192 = arith.index_cast %swap3A_191 : i32 to index
      %swap3A_193 = arith.index_cast %mul3A_190 : i32 to index
      %swap3A_194 = tpu.vector_load %arg17[%swap3A_192, %swap3A_193] {strides = array<i32>} : memref<16x1152xf32, #tpu.memory_space<vmem>>, vector<16xf32>,
      tpu.vector_store %arg17[%swap3A_192, %swap3A_193], %broadcast_in_dim3A_188 {strides = array<i32>} : memref<16x1152xf32, #tpu.memory_space<vmem>>, vector<16xf32>,
      %broadcast_in_dim3A_195 = arith.constant 0.000000e+00 : f32
      %broadcast_in_dim3A_196 = vector.broadcast %broadcast_in_dim3A_195 : f32 to vector<16xf32>
      %mul3A_197 = arith.constant 16 : i32
      %mul3A_198 = arith.muli %scan3A_170, %mul3A_197 : i32
      %swap3A_199 = arith.constant 3 : i32
      %swap3A_200 = arith.index_cast %swap3A_199 : i32 to index
      %swap3A_201 = arith.index_cast %mul3A_198 : i32 to index
      %swap3A_202 = tpu.vector_load %arg17[%swap3A_200, %swap3A_201] {strides = array<i32>} : memref<16x1152xf32, #tpu.memory_space<vmem>>, vector<16xf32>,
      tpu.vector_store %arg17[%swap3A_200, %swap3A_201], %broadcast_in_dim3A_196 {strides = array<i32>} : memref<16x1152xf32, #tpu.memory_space<vmem>>, vector<16xf32>,
      %broadcast_in_dim3A_203 = arith.constant 0.000000e+00 : f32
      %broadcast_in_dim3A_204 = vector.broadcast %broadcast_in_dim3A_203 : f32 to vector<16xf32>
      %mul3A_205 = arith.constant 16 : i32
      %mul3A_206 = arith.muli %scan3A_170, %mul3A_205 : i32
      %swap3A_207 = arith.constant 4 : i32
      %swap3A_208 = arith.index_cast %swap3A_207 : i32 to index
      %swap3A_209 = arith.index_cast %mul3A_206 : i32 to index
      %swap3A_210 = tpu.vector_load %arg17[%swap3A_208, %swap3A_209] {strides = array<i32>} : memref<16x1152xf32, #tpu.memory_space<vmem>>, vector<16xf32>,
      tpu.vector_store %arg17[%swap3A_208, %swap3A_209], %broadcast_in_dim3A_204 {strides = array<i32>} : memref<16x1152xf32, #tpu.memory_space<vmem>>, vector<16xf32>,
      %broadcast_in_dim3A_211 = arith.constant 0.000000e+00 : f32
      %broadcast_in_dim3A_212 = vector.broadcast %broadcast_in_dim3A_211 : f32 to vector<16xf32>
      %mul3A_213 = arith.constant 16 : i32
      %mul3A_214 = arith.muli %scan3A_170, %mul3A_213 : i32
      %swap3A_215 = arith.constant 5 : i32
      %swap3A_216 = arith.index_cast %swap3A_215 : i32 to index
      %swap3A_217 = arith.index_cast %mul3A_214 : i32 to index
      %swap3A_218 = tpu.vector_load %arg17[%swap3A_216, %swap3A_217] {strides = array<i32>} : memref<16x1152xf32, #tpu.memory_space<vmem>>, vector<16xf32>,
      tpu.vector_store %arg17[%swap3A_216, %swap3A_217], %broadcast_in_dim3A_212 {strides = array<i32>} : memref<16x1152xf32, #tpu.memory_space<vmem>>, vector<16xf32>,
      %broadcast_in_dim3A_219 = arith.constant 0.000000e+00 : f32
      %broadcast_in_dim3A_220 = vector.broadcast %broadcast_in_dim3A_219 : f32 to vector<16xf32>
      %mul3A_221 = arith.constant 16 : i32
      %mul3A_222 = arith.muli %scan3A_170, %mul3A_221 : i32
      %swap3A_223 = arith.constant 6 : i32
      %swap3A_224 = arith.index_cast %swap3A_223 : i32 to index
      %swap3A_225 = arith.index_cast %mul3A_222 : i32 to index
      %swap3A_226 = tpu.vector_load %arg17[%swap3A_224, %swap3A_225] {strides = array<i32>} : memref<16x1152xf32, #tpu.memory_space<vmem>>, vector<16xf32>,
      tpu.vector_store %arg17[%swap3A_224, %swap3A_225], %broadcast_in_dim3A_220 {strides = array<i32>} : memref<16x1152xf32, #tpu.memory_space<vmem>>, vector<16xf32>,
      %broadcast_in_dim3A_227 = arith.constant 0.000000e+00 : f32
      %broadcast_in_dim3A_228 = vector.broadcast %broadcast_in_dim3A_227 : f32 to vector<16xf32>
      %mul3A_229 = arith.constant 16 : i32
      %mul3A_230 = arith.muli %scan3A_170, %mul3A_229 : i32
      %swap3A_231 = arith.constant 7 : i32
      %swap3A_232 = arith.index_cast %swap3A_231 : i32 to index
      %swap3A_233 = arith.index_cast %mul3A_230 : i32 to index
      %swap3A_234 = tpu.vector_load %arg17[%swap3A_232, %swap3A_233] {strides = array<i32>} : memref<16x1152xf32, #tpu.memory_space<vmem>>, vector<16xf32>,
      tpu.vector_store %arg17[%swap3A_232, %swap3A_233], %broadcast_in_dim3A_228 {strides = array<i32>} : memref<16x1152xf32, #tpu.memory_space<vmem>>, vector<16xf32>,
      %broadcast_in_dim3A_235 = arith.constant 0.000000e+00 : f32
      %broadcast_in_dim3A_236 = vector.broadcast %broadcast_in_dim3A_235 : f32 to vector<16xf32>
      %mul3A_237 = arith.constant 16 : i32
      %mul3A_238 = arith.muli %scan3A_170, %mul3A_237 : i32
      %swap3A_239 = arith.constant 8 : i32
      %swap3A_240 = arith.index_cast %swap3A_239 : i32 to index
      %swap3A_241 = arith.index_cast %mul3A_238 : i32 to index
      %swap3A_242 = tpu.vector_load %arg17[%swap3A_240, %swap3A_241] {strides = array<i32>} : memref<16x1152xf32, #tpu.memory_space<vmem>>, vector<16xf32>,
      tpu.vector_store %arg17[%swap3A_240, %swap3A_241], %broadcast_in_dim3A_236 {strides = array<i32>} : memref<16x1152xf32, #tpu.memory_space<vmem>>, vector<16xf32>,
      %broadcast_in_dim3A_243 = arith.constant 0.000000e+00 : f32
      %broadcast_in_dim3A_244 = vector.broadcast %broadcast_in_dim3A_243 : f32 to vector<16xf32>
      %mul3A_245 = arith.constant 16 : i32
      %mul3A_246 = arith.muli %scan3A_170, %mul3A_245 : i32
      %swap3A_247 = arith.constant 9 : i32
      %swap3A_248 = arith.index_cast %swap3A_247 : i32 to index
      %swap3A_249 = arith.index_cast %mul3A_246 : i32 to index
      %swap3A_250 = tpu.vector_load %arg17[%swap3A_248, %swap3A_249] {strides = array<i32>} : memref<16x1152xf32, #tpu.memory_space<vmem>>, vector<16xf32>,
      tpu.vector_store %arg17[%swap3A_248, %swap3A_249], %broadcast_in_dim3A_244 {strides = array<i32>} : memref<16x1152xf32, #tpu.memory_space<vmem>>, vector<16xf32>,
      %broadcast_in_dim3A_251 = arith.constant 0.000000e+00 : f32
      %broadcast_in_dim3A_252 = vector.broadcast %broadcast_in_dim3A_251 : f32 to vector<16xf32>
      %mul3A_253 = arith.constant 16 : i32
      %mul3A_254 = arith.muli %scan3A_170, %mul3A_253 : i32
      %swap3A_255 = arith.constant 10 : i32
      %swap3A_256 = arith.index_cast %swap3A_255 : i32 to index
      %swap3A_257 = arith.index_cast %mul3A_254 : i32 to index
      %swap3A_258 = tpu.vector_load %arg17[%swap3A_256, %swap3A_257] {strides = array<i32>} : memref<16x1152xf32, #tpu.memory_space<vmem>>, vector<16xf32>,
      tpu.vector_store %arg17[%swap3A_256, %swap3A_257], %broadcast_in_dim3A_252 {strides = array<i32>} : memref<16x1152xf32, #tpu.memory_space<vmem>>, vector<16xf32>,
      %broadcast_in_dim3A_259 = arith.constant 0.000000e+00 : f32
      %broadcast_in_dim3A_260 = vector.broadcast %broadcast_in_dim3A_259 : f32 to vector<16xf32>
      %mul3A_261 = arith.constant 16 : i32
      %mul3A_262 = arith.muli %scan3A_170, %mul3A_261 : i32
      %swap3A_263 = arith.constant 11 : i32
      %swap3A_264 = arith.index_cast %swap3A_263 : i32 to index
      %swap3A_265 = arith.index_cast %mul3A_262 : i32 to index
      %swap3A_266 = tpu.vector_load %arg17[%swap3A_264, %swap3A_265] {strides = array<i32>} : memref<16x1152xf32, #tpu.memory_space<vmem>>, vector<16xf32>,
      tpu.vector_store %arg17[%swap3A_264, %swap3A_265], %broadcast_in_dim3A_260 {strides = array<i32>} : memref<16x1152xf32, #tpu.memory_space<vmem>>, vector<16xf32>,
      %broadcast_in_dim3A_267 = arith.constant 0.000000e+00 : f32
      %broadcast_in_dim3A_268 = vector.broadcast %broadcast_in_dim3A_267 : f32 to vector<16xf32>
      %mul3A_269 = arith.constant 16 : i32
      %mul3A_270 = arith.muli %scan3A_170, %mul3A_269 : i32
      %swap3A_271 = arith.constant 12 : i32
      %swap3A_272 = arith.index_cast %swap3A_271 : i32 to index
      %swap3A_273 = arith.index_cast %mul3A_270 : i32 to index
      %swap3A_274 = tpu.vector_load %arg17[%swap3A_272, %swap3A_273] {strides = array<i32>} : memref<16x1152xf32, #tpu.memory_space<vmem>>, vector<16xf32>,
      tpu.vector_store %arg17[%swap3A_272, %swap3A_273], %broadcast_in_dim3A_268 {strides = array<i32>} : memref<16x1152xf32, #tpu.memory_space<vmem>>, vector<16xf32>,
      %broadcast_in_dim3A_275 = arith.constant 0.000000e+00 : f32
      %broadcast_in_dim3A_276 = vector.broadcast %broadcast_in_dim3A_275 : f32 to vector<16xf32>
      %mul3A_277 = arith.constant 16 : i32
      %mul3A_278 = arith.muli %scan3A_170, %mul3A_277 : i32
      %swap3A_279 = arith.constant 13 : i32
      %swap3A_280 = arith.index_cast %swap3A_279 : i32 to index
      %swap3A_281 = arith.index_cast %mul3A_278 : i32 to index
      %swap3A_282 = tpu.vector_load %arg17[%swap3A_280, %swap3A_281] {strides = array<i32>} : memref<16x1152xf32, #tpu.memory_space<vmem>>, vector<16xf32>,
      tpu.vector_store %arg17[%swap3A_280, %swap3A_281], %broadcast_in_dim3A_276 {strides = array<i32>} : memref<16x1152xf32, #tpu.memory_space<vmem>>, vector<16xf32>,
      %broadcast_in_dim3A_283 = arith.constant 0.000000e+00 : f32
      %broadcast_in_dim3A_284 = vector.broadcast %broadcast_in_dim3A_283 : f32 to vector<16xf32>
      %mul3A_285 = arith.constant 16 : i32
      %mul3A_286 = arith.muli %scan3A_170, %mul3A_285 : i32
      %swap3A_287 = arith.constant 14 : i32
      %swap3A_288 = arith.index_cast %swap3A_287 : i32 to index
      %swap3A_289 = arith.index_cast %mul3A_286 : i32 to index
      %swap3A_290 = tpu.vector_load %arg17[%swap3A_288, %swap3A_289] {strides = array<i32>} : memref<16x1152xf32, #tpu.memory_space<vmem>>, vector<16xf32>,
      tpu.vector_store %arg17[%swap3A_288, %swap3A_289], %broadcast_in_dim3A_284 {strides = array<i32>} : memref<16x1152xf32, #tpu.memory_space<vmem>>, vector<16xf32>,
      %broadcast_in_dim3A_291 = arith.constant 0.000000e+00 : f32
      %broadcast_in_dim3A_292 = vector.broadcast %broadcast_in_dim3A_291 : f32 to vector<16xf32>
      %mul3A_293 = arith.constant 16 : i32
      %mul3A_294 = arith.muli %scan3A_170, %mul3A_293 : i32
      %swap3A_295 = arith.constant 15 : i32
      %swap3A_296 = arith.index_cast %swap3A_295 : i32 to index
      %swap3A_297 = arith.index_cast %mul3A_294 : i32 to index
      %swap3A_298 = tpu.vector_load %arg17[%swap3A_296, %swap3A_297] {strides = array<i32>} : memref<16x1152xf32, #tpu.memory_space<vmem>>, vector<16xf32>,
      tpu.vector_store %arg17[%swap3A_296, %swap3A_297], %broadcast_in_dim3A_292 {strides = array<i32>} : memref<16x1152xf32, #tpu.memory_space<vmem>>, vector<16xf32>,
      %scan3A_299 = arith.constant 0 : i32
      scf.yield %scan3A_299 : i32
    }
    %scan3A_102 = arith.constant 72 : i32
    %mul3A_103 = arith.constant 72 : i32
    %mul3A_104 = arith.muli %arg1, %mul3A_103 : i32
    %add3A_105 = arith.constant 0 : i32
    %add3A_106 = arith.addi %mul3A_104, %add3A_105 : i32
    %dma_start3A_107 = arith.constant 0 : i32
    %dma_start3A_108 = tpu.memref_slice %arg7[%add3A_106, %dma_start3A_107] : memref<1152x128xf32, #tpu.memory_space<vmem_shared>> -> memref<24x128xf32, #tpu.memory_space<vmem_shared>>
    %dma_start3A_109 = arith.constant 0 : i32
    %dma_start3A_110 = tpu.memref_slice %arg7[%add3A_106, %dma_start3A_109] : memref<1152x128xf32, #tpu.memory_space<vmem_shared>> -> memref<24x128xf32, #tpu.memory_space<vmem_shared>>
    tpu.enqueue_dma source(%arg19 : memref<24x128xf32, #tpu.memory_space<vmem>>) target(%dma_start3A_110 : memref<24x128xf32, #tpu.memory_space<vmem_shared>>) target_semaphore(%arg26 : memref<!tpu.dma_semaphore, #tpu.memory_space<semaphore_mem>>)
    %mul3A_111 = arith.constant 72 : i32
    %mul3A_112 = arith.muli %arg1, %mul3A_111 : i32
    %add3A_113 = arith.constant 24 : i32
    %add3A_114 = arith.addi %mul3A_112, %add3A_113 : i32
    %dma_start3A_115 = arith.constant 0 : i32
    %dma_start3A_116 = tpu.memref_slice %arg7[%add3A_114, %dma_start3A_115] : memref<1152x128xf32, #tpu.memory_space<vmem_shared>> -> memref<24x128xf32, #tpu.memory_space<vmem_shared>>
    %dma_start3A_117 = arith.constant 0 : i32
    %dma_start3A_118 = tpu.memref_slice %arg7[%add3A_114, %dma_start3A_117] : memref<1152x128xf32, #tpu.memory_space<vmem_shared>> -> memref<24x128xf32, #tpu.memory_space<vmem_shared>>
    tpu.enqueue_dma source(%arg19 : memref<24x128xf32, #tpu.memory_space<vmem>>) target(%dma_start3A_118 : memref<24x128xf32, #tpu.memory_space<vmem_shared>>) target_semaphore(%arg26 : memref<!tpu.dma_semaphore, #tpu.memory_space<semaphore_mem>>)
    %mul3A_119 = arith.constant 72 : i32
    %mul3A_120 = arith.muli %arg1, %mul3A_119 : i32
    %add3A_121 = arith.constant 48 : i32
    %add3A_122 = arith.addi %mul3A_120, %add3A_121 : i32
    %dma_start3A_123 = arith.constant 0 : i32
    %dma_start3A_124 = tpu.memref_slice %arg7[%add3A_122, %dma_start3A_123] : memref<1152x128xf32, #tpu.memory_space<vmem_shared>> -> memref<24x128xf32, #tpu.memory_space<vmem_shared>>
    %dma_start3A_125 = arith.constant 0 : i32
    %dma_start3A_126 = tpu.memref_slice %arg7[%add3A_122, %dma_start3A_125] : memref<1152x128xf32, #tpu.memory_space<vmem_shared>> -> memref<24x128xf32, #tpu.memory_space<vmem_shared>>
    tpu.enqueue_dma source(%arg19 : memref<24x128xf32, #tpu.memory_space<vmem>>) target(%dma_start3A_126 : memref<24x128xf32, #tpu.memory_space<vmem_shared>>) target_semaphore(%arg26 : memref<!tpu.dma_semaphore, #tpu.memory_space<semaphore_mem>>)
    %dma_wait3A = arith.constant 0 : i32
    %dma_wait3A_127 = arith.constant 0 : i32
    %dma_wait3A_128 = tpu.memref_slice %arg7[%dma_wait3A, %dma_wait3A_127] : memref<1152x128xf32, #tpu.memory_space<vmem_shared>> -> memref<24x128xf32, #tpu.memory_space<vmem_shared>>
    %dma_wait3A_129 = arith.constant 0 : i32
    %dma_wait3A_130 = arith.constant 0 : i32
    %dma_wait3A_131 = tpu.memref_slice %arg7[%dma_wait3A_129, %dma_wait3A_130] : memref<1152x128xf32, #tpu.memory_space<vmem_shared>> -> memref<24x128xf32, #tpu.memory_space<vmem_shared>>
    tpu.wait_dma2 semaphore(%arg26 : memref<!tpu.dma_semaphore, #tpu.memory_space<semaphore_mem>>) src(%arg19 : memref<24x128xf32, #tpu.memory_space<vmem>>) dst(%dma_wait3A_131 : memref<24x128xf32, #tpu.memory_space<vmem_shared>>)
    %dma_wait3A_132 = arith.constant 24 : i32
    %dma_wait3A_133 = arith.constant 0 : i32
    %dma_wait3A_134 = tpu.memref_slice %arg7[%dma_wait3A_132, %dma_wait3A_133] : memref<1152x128xf32, #tpu.memory_space<vmem_shared>> -> memref<24x128xf32, #tpu.memory_space<vmem_shared>>
    %dma_wait3A_135 = arith.constant 24 : i32
    %dma_wait3A_136 = arith.constant 0 : i32
    %dma_wait3A_137 = tpu.memref_slice %arg7[%dma_wait3A_135, %dma_wait3A_136] : memref<1152x128xf32, #tpu.memory_space<vmem_shared>> -> memref<24x128xf32, #tpu.memory_space<vmem_shared>>
    tpu.wait_dma2 semaphore(%arg26 : memref<!tpu.dma_semaphore, #tpu.memory_space<semaphore_mem>>) src(%arg19 : memref<24x128xf32, #tpu.memory_space<vmem>>) dst(%dma_wait3A_137 : memref<24x128xf32, #tpu.memory_space<vmem_shared>>)
    %dma_wait3A_138 = arith.constant 48 : i32
    %dma_wait3A_139 = arith.constant 0 : i32
    %dma_wait3A_140 = tpu.memref_slice %arg7[%dma_wait3A_138, %dma_wait3A_139] : memref<1152x128xf32, #tpu.memory_space<vmem_shared>> -> memref<24x128xf32, #tpu.memory_space<vmem_shared>>
    %dma_wait3A_141 = arith.constant 48 : i32
    %dma_wait3A_142 = arith.constant 0 : i32
    %dma_wait3A_143 = tpu.memref_slice %arg7[%dma_wait3A_141, %dma_wait3A_142] : memref<1152x128xf32, #tpu.memory_space<vmem_shared>> -> memref<24x128xf32, #tpu.memory_space<vmem_shared>>
    tpu.wait_dma2 semaphore(%arg26 : memref<!tpu.dma_semaphore, #tpu.memory_space<semaphore_mem>>) src(%arg19 : memref<24x128xf32, #tpu.memory_space<vmem>>) dst(%dma_wait3A_143 : memref<24x128xf32, #tpu.memory_space<vmem_shared>>)
    %barrier3A = arith.constant 0 : index
    tpu.barrier barrier_id(%barrier3A)
    %scan3A_144 = arith.constant 0 : i32
    %scan3A_145 = arith.constant 0 : i32
    %scan3A_146 = arith.constant 9 : i32
    %scan3A_147 = arith.addi %scan3A_145, %scan3A_146 : i32
    %scan3A_148 = arith.constant 1 : i32
    %scan3A_149 = scf.for %scan3A_170 = %scan3A_145 to %scan3A_147 step %scan3A_148 iter_args(%scan3A_171 = %scan3A_144) -> (i32)  : i32 {
      %mul3A_172 = arith.constant 3 : i32
      %mul3A_173 = arith.muli %mul3A_172, %scan3A_170 : i32
      %add3A_174 = arith.constant 0 : i32
      %add3A_175 = arith.addi %mul3A_173, %add3A_174 : i32
      %lt3A_176 = arith.constant 25 : i32
      %lt3A_177 = arith.cmpi slt, %add3A_175, %lt3A_176 : i32
      %convert_element_type3A = arith.extui %lt3A_177 : i1 to i32
      %cond3A = arith.constant 0 : i32
      %cond3A_178 = arith.cmpi ne, %convert_element_type3A, %cond3A : i32
      scf.if %cond3A_178 {
        %dma_wait3A_198 = arith.constant 0 : i32
        %dma_wait3A_199 = arith.constant 0 : i32
        %dma_wait3A_200 = tpu.memref_slice %arg11[%dma_wait3A_198, %dma_wait3A_199] : memref<2x128xi32, #tpu.memory_space<vmem>> -> memref<1x128xi32, #tpu.memory_space<vmem>>
        %dma_wait3A_201 = tpu.memref_squeeze %dma_wait3A_200 : memref<1x128xi32, #tpu.memory_space<vmem>> -> memref<128xi32, #tpu.memory_space<vmem>>
        %dma_wait3A_202 = arith.constant 0 : i32
        %dma_wait3A_203 = tpu.memref_slice %arg3[%dma_wait3A_202] : memref<100000xi32, #tpu.memory_space<hbm>> -> memref<128xi32, #tpu.memory_space<hbm>>
        %dma_wait3A_204 = arith.constant 0 : i32
        %dma_wait3A_205 = tpu.memref_slice %arg11[%dma_wait3A_198, %dma_wait3A_204] : memref<2x128xi32, #tpu.memory_space<vmem>> -> memref<1x128xi32, #tpu.memory_space<vmem>>
        %dma_wait3A_206 = tpu.memref_squeeze %dma_wait3A_205 : memref<1x128xi32, #tpu.memory_space<vmem>> -> memref<128xi32, #tpu.memory_space<vmem>>
        %dma_wait3A_207 = arith.constant 0 : i32
        %dma_wait3A_208 = tpu.memref_slice %arg3[%dma_wait3A_207] : memref<100000xi32, #tpu.memory_space<hbm>> -> memref<128xi32, #tpu.memory_space<hbm>>
        tpu.wait_dma2 semaphore(%arg20 : memref<!tpu.dma_semaphore, #tpu.memory_space<semaphore_mem>>) src(%dma_wait3A_208 : memref<128xi32, #tpu.memory_space<hbm>>) dst(%dma_wait3A_206 : memref<128xi32, #tpu.memory_space<vmem>>)
        %dma_wait3A_209 = arith.constant 1 : i32
        %dma_wait3A_210 = arith.constant 0 : i32
        %dma_wait3A_211 = tpu.memref_slice %arg11[%dma_wait3A_209, %dma_wait3A_210] : memref<2x128xi32, #tpu.memory_space<vmem>> -> memref<1x128xi32, #tpu.memory_space<vmem>>
        %dma_wait3A_212 = tpu.memref_squeeze %dma_wait3A_211 : memref<1x128xi32, #tpu.memory_space<vmem>> -> memref<128xi32, #tpu.memory_space<vmem>>
        %dma_wait3A_213 = arith.constant 0 : i32
        %dma_wait3A_214 = tpu.memref_slice %arg4[%dma_wait3A_213] : memref<100000xi32, #tpu.memory_space<hbm>> -> memref<128xi32, #tpu.memory_space<hbm>>
        %dma_wait3A_215 = arith.constant 0 : i32
        %dma_wait3A_216 = tpu.memref_slice %arg11[%dma_wait3A_209, %dma_wait3A_215] : memref<2x128xi32, #tpu.memory_space<vmem>> -> memref<1x128xi32, #tpu.memory_space<vmem>>
        %dma_wait3A_217 = tpu.memref_squeeze %dma_wait3A_216 : memref<1x128xi32, #tpu.memory_space<vmem>> -> memref<128xi32, #tpu.memory_space<vmem>>
        %dma_wait3A_218 = arith.constant 0 : i32
        %dma_wait3A_219 = tpu.memref_slice %arg4[%dma_wait3A_218] : memref<100000xi32, #tpu.memory_space<hbm>> -> memref<128xi32, #tpu.memory_space<hbm>>
        tpu.wait_dma2 semaphore(%arg20 : memref<!tpu.dma_semaphore, #tpu.memory_space<semaphore_mem>>) src(%dma_wait3A_219 : memref<128xi32, #tpu.memory_space<hbm>>) dst(%dma_wait3A_217 : memref<128xi32, #tpu.memory_space<vmem>>)
        %dma_wait3A_220 = arith.constant 0 : i32
        %dma_wait3A_221 = arith.constant 0 : i32
        %dma_wait3A_222 = tpu.memref_slice %arg2[%dma_wait3A_220, %dma_wait3A_221] : memref<100000x128xf32, #tpu.memory_space<hbm>> -> memref<128x128xf32, #tpu.memory_space<hbm>>
        %dma_wait3A_223 = arith.constant 0 : i32
        %dma_wait3A_224 = arith.constant 0 : i32
        %dma_wait3A_225 = tpu.memref_slice %arg2[%dma_wait3A_223, %dma_wait3A_224] : memref<100000x128xf32, #tpu.memory_space<hbm>> -> memref<128x128xf32, #tpu.memory_space<hbm>>
        tpu.wait_dma2 semaphore(%arg20 : memref<!tpu.dma_semaphore, #tpu.memory_space<semaphore_mem>>) src(%dma_wait3A_225 : memref<128x128xf32, #tpu.memory_space<hbm>>) dst(%arg8 : memref<128x128xf32, #tpu.memory_space<vmem>>)
        %mul3A_226 = arith.constant 32 : i32
        %mul3A_227 = arith.muli %mul3A_226, %add3A_175 : i32
        %add3A_228 = arith.addi %add3A, %mul3A_227 : i32
        %lt3A_229 = arith.constant 781 : i32
        %lt3A_230 = arith.cmpi slt, %add3A_228, %lt3A_229 : i32
        %eq3A = arith.constant 781 : i32
        %eq3A_231 = arith.cmpi eq, %add3A_228, %eq3A : i32
        %jit3A_232 = arith.constant 96 : i32
        %jit3A_233 = arith.constant 128 : i32
        %select_n3A_234 = arith.select %eq3A_231, %jit3A_232, %jit3A_233 : i32
        %jit3A_235 = arith.constant 0 : i32
        %select_n3A_236 = arith.select %lt3A_230, %jit3A_235, %select_n3A_234 : i32
        %get3A = arith.constant 0 : i32
        %get3A_237 = arith.index_cast %get3A : i32 to index
        %get3A_238 = arith.constant 0 : index
        %get3A_239 = tpu.vector_load %arg11[%get3A_237, %get3A_238] {strides = array<i32>} : memref<2x128xi32, #tpu.memory_space<vmem>>, vector<16xi32>,
        %get3A_240 = arith.constant 1 : i32
        %get3A_241 = arith.index_cast %get3A_240 : i32 to index
        %get3A_242 = arith.constant 0 : index
        %get3A_243 = tpu.vector_load %arg11[%get3A_241, %get3A_242] {strides = array<i32>} : memref<2x128xi32, #tpu.memory_space<vmem>>, vector<16xi32>,
        %eq3A_244 = arith.constant 100 : i32
        %eq3A_245 = vector.broadcast %eq3A_244 : i32 to vector<16xi32>
        %eq3A_246 = arith.cmpi eq, %get3A_239, %eq3A_245 : vector<16xi32>
        %jit3A_247 = arith.constant 512 : i32
        %jit3A_248 = arith.constant 0 : i32
        %broadcast_in_dim3A_249 = vector.broadcast %jit3A_247 : i32 to vector<16xi32>
        %broadcast_in_dim3A_250 = vector.broadcast %jit3A_248 : i32 to vector<16xi32>
        %select_n3A_251 = arith.select %eq3A_246, %broadcast_in_dim3A_249, %broadcast_in_dim3A_250 : vector<16xi1>, vector<16xi32>
        %add3A_252 = arith.addi %get3A_243, %select_n3A_251 : vector<16xi32>
        %add3A_253 = arith.constant 0 : i32
        %add3A_254 = vector.broadcast %add3A_253 : i32 to vector<16xi32>
        %add3A_255 = arith.addi %add3A_254, %iota3A : vector<16xi32>
        %ge3A = vector.broadcast %select_n3A_236 : i32 to vector<16xi32>
        %ge3A_256 = arith.cmpi sge, %add3A_255, %ge3A : vector<16xi32>
        %jit3A_257 = arith.constant 1024 : i32
        %broadcast_in_dim3A_258 = vector.broadcast %jit3A_257 : i32 to vector<16xi32>
        %select_n3A_259 = arith.select %ge3A_256, %add3A_252, %broadcast_in_dim3A_258 : vector<16xi1>, vector<16xi32>
        %swap3A = arith.constant 0 : i32
        %swap3A_260 = arith.index_cast %swap3A : i32 to index
        %swap3A_261 = arith.constant 0 : index
        %swap3A_262 = tpu.vector_load %arg14[%swap3A_260, %swap3A_261] {strides = array<i32>} : memref<1x128xi32, #tpu.memory_space<vmem>>, vector<16xi32>,
        tpu.vector_store %arg14[%swap3A_260, %swap3A_261], %select_n3A_259 {strides = array<i32>} : memref<1x128xi32, #tpu.memory_space<vmem>>, vector<16xi32>,
        tpu.vector_store_idx %arg17[%iota3A, %select_n3A_259], %broadcast_in_dim3A_1 {add = true} : memref<16x1152xf32, #tpu.memory_space<vmem>>[vector<16xi32>, vector<16xi32>], vector<16xf32>,
        %get3A_263 = arith.constant 0 : i32
        %get3A_264 = arith.index_cast %get3A_263 : i32 to index
        %get3A_265 = arith.constant 16 : index
        %get3A_266 = tpu.vector_load %arg11[%get3A_264, %get3A_265] {strides = array<i32>} : memref<2x128xi32, #tpu.memory_space<vmem>>, vector<16xi32>,
        %get3A_267 = arith.constant 1 : i32
        %get3A_268 = arith.index_cast %get3A_267 : i32 to index
        %get3A_269 = arith.constant 16 : index
        %get3A_270 = tpu.vector_load %arg11[%get3A_268, %get3A_269] {strides = array<i32>} : memref<2x128xi32, #tpu.memory_space<vmem>>, vector<16xi32>,
        %eq3A_271 = arith.constant 100 : i32
        %eq3A_272 = vector.broadcast %eq3A_271 : i32 to vector<16xi32>
        %eq3A_273 = arith.cmpi eq, %get3A_266, %eq3A_272 : vector<16xi32>
        %jit3A_274 = arith.constant 512 : i32
        %jit3A_275 = arith.constant 0 : i32
        %broadcast_in_dim3A_276 = vector.broadcast %jit3A_274 : i32 to vector<16xi32>
        %broadcast_in_dim3A_277 = vector.broadcast %jit3A_275 : i32 to vector<16xi32>
        %select_n3A_278 = arith.select %eq3A_273, %broadcast_in_dim3A_276, %broadcast_in_dim3A_277 : vector<16xi1>, vector<16xi32>
        %add3A_279 = arith.addi %get3A_270, %select_n3A_278 : vector<16xi32>
        %add3A_280 = arith.constant 16 : i32
        %add3A_281 = vector.broadcast %add3A_280 : i32 to vector<16xi32>
        %add3A_282 = arith.addi %add3A_281, %iota3A : vector<16xi32>
        %ge3A_283 = vector.broadcast %select_n3A_236 : i32 to vector<16xi32>
        %ge3A_284 = arith.cmpi sge, %add3A_282, %ge3A_283 : vector<16xi32>
        %jit3A_285 = arith.constant 1024 : i32
        %broadcast_in_dim3A_286 = vector.broadcast %jit3A_285 : i32 to vector<16xi32>
        %select_n3A_287 = arith.select %ge3A_284, %add3A_279, %broadcast_in_dim3A_286 : vector<16xi1>, vector<16xi32>
        %swap3A_288 = arith.constant 0 : i32
        %swap3A_289 = arith.index_cast %swap3A_288 : i32 to index
        %swap3A_290 = arith.constant 16 : index
        %swap3A_291 = tpu.vector_load %arg14[%swap3A_289, %swap3A_290] {strides = array<i32>} : memref<1x128xi32, #tpu.memory_space<vmem>>, vector<16xi32>,
        tpu.vector_store %arg14[%swap3A_289, %swap3A_290], %select_n3A_287 {strides = array<i32>} : memref<1x128xi32, #tpu.memory_space<vmem>>, vector<16xi32>,
        tpu.vector_store_idx %arg17[%iota3A, %select_n3A_287], %broadcast_in_dim3A_1 {add = true} : memref<16x1152xf32, #tpu.memory_space<vmem>>[vector<16xi32>, vector<16xi32>], vector<16xf32>,
        %get3A_292 = arith.constant 0 : i32
        %get3A_293 = arith.index_cast %get3A_292 : i32 to index
        %get3A_294 = arith.constant 32 : index
        %get3A_295 = tpu.vector_load %arg11[%get3A_293, %get3A_294] {strides = array<i32>} : memref<2x128xi32, #tpu.memory_space<vmem>>, vector<16xi32>,
        %get3A_296 = arith.constant 1 : i32
        %get3A_297 = arith.index_cast %get3A_296 : i32 to index
        %get3A_298 = arith.constant 32 : index
        %get3A_299 = tpu.vector_load %arg11[%get3A_297, %get3A_298] {strides = array<i32>} : memref<2x128xi32, #tpu.memory_space<vmem>>, vector<16xi32>,
        %eq3A_300 = arith.constant 100 : i32
        %eq3A_301 = vector.broadcast %eq3A_300 : i32 to vector<16xi32>
        %eq3A_302 = arith.cmpi eq, %get3A_295, %eq3A_301 : vector<16xi32>
        %jit3A_303 = arith.constant 512 : i32
        %jit3A_304 = arith.constant 0 : i32
        %broadcast_in_dim3A_305 = vector.broadcast %jit3A_303 : i32 to vector<16xi32>
        %broadcast_in_dim3A_306 = vector.broadcast %jit3A_304 : i32 to vector<16xi32>
        %select_n3A_307 = arith.select %eq3A_302, %broadcast_in_dim3A_305, %broadcast_in_dim3A_306 : vector<16xi1>, vector<16xi32>
        %add3A_308 = arith.addi %get3A_299, %select_n3A_307 : vector<16xi32>
        %add3A_309 = arith.constant 32 : i32
        %add3A_310 = vector.broadcast %add3A_309 : i32 to vector<16xi32>
        %add3A_311 = arith.addi %add3A_310, %iota3A : vector<16xi32>
        %ge3A_312 = vector.broadcast %select_n3A_236 : i32 to vector<16xi32>
        %ge3A_313 = arith.cmpi sge, %add3A_311, %ge3A_312 : vector<16xi32>
        %jit3A_314 = arith.constant 1024 : i32
        %broadcast_in_dim3A_315 = vector.broadcast %jit3A_314 : i32 to vector<16xi32>
        %select_n3A_316 = arith.select %ge3A_313, %add3A_308, %broadcast_in_dim3A_315 : vector<16xi1>, vector<16xi32>
        %swap3A_317 = arith.constant 0 : i32
        %swap3A_318 = arith.index_cast %swap3A_317 : i32 to index
        %swap3A_319 = arith.constant 32 : index
        %swap3A_320 = tpu.vector_load %arg14[%swap3A_318, %swap3A_319] {strides = array<i32>} : memref<1x128xi32, #tpu.memory_space<vmem>>, vector<16xi32>,
        tpu.vector_store %arg14[%swap3A_318, %swap3A_319], %select_n3A_316 {strides = array<i32>} : memref<1x128xi32, #tpu.memory_space<vmem>>, vector<16xi32>,
        tpu.vector_store_idx %arg17[%iota3A, %select_n3A_316], %broadcast_in_dim3A_1 {add = true} : memref<16x1152xf32, #tpu.memory_space<vmem>>[vector<16xi32>, vector<16xi32>], vector<16xf32>,
        %get3A_321 = arith.constant 0 : i32
        %get3A_322 = arith.index_cast %get3A_321 : i32 to index
        %get3A_323 = arith.constant 48 : index
        %get3A_324 = tpu.vector_load %arg11[%get3A_322, %get3A_323] {strides = array<i32>} : memref<2x128xi32, #tpu.memory_space<vmem>>, vector<16xi32>,
        %get3A_325 = arith.constant 1 : i32
        %get3A_326 = arith.index_cast %get3A_325 : i32 to index
        %get3A_327 = arith.constant 48 : index
        %get3A_328 = tpu.vector_load %arg11[%get3A_326, %get3A_327] {strides = array<i32>} : memref<2x128xi32, #tpu.memory_space<vmem>>, vector<16xi32>,
        %eq3A_329 = arith.constant 100 : i32
        %eq3A_330 = vector.broadcast %eq3A_329 : i32 to vector<16xi32>
        %eq3A_331 = arith.cmpi eq, %get3A_324, %eq3A_330 : vector<16xi32>
        %jit3A_332 = arith.constant 512 : i32
        %jit3A_333 = arith.constant 0 : i32
        %broadcast_in_dim3A_334 = vector.broadcast %jit3A_332 : i32 to vector<16xi32>
        %broadcast_in_dim3A_335 = vector.broadcast %jit3A_333 : i32 to vector<16xi32>
        %select_n3A_336 = arith.select %eq3A_331, %broadcast_in_dim3A_334, %broadcast_in_dim3A_335 : vector<16xi1>, vector<16xi32>
        %add3A_337 = arith.addi %get3A_328, %select_n3A_336 : vector<16xi32>
        %add3A_338 = arith.constant 48 : i32
        %add3A_339 = vector.broadcast %add3A_338 : i32 to vector<16xi32>
        %add3A_340 = arith.addi %add3A_339, %iota3A : vector<16xi32>
        %ge3A_341 = vector.broadcast %select_n3A_236 : i32 to vector<16xi32>
        %ge3A_342 = arith.cmpi sge, %add3A_340, %ge3A_341 : vector<16xi32>
        %jit3A_343 = arith.constant 1024 : i32
        %broadcast_in_dim3A_344 = vector.broadcast %jit3A_343 : i32 to vector<16xi32>
        %select_n3A_345 = arith.select %ge3A_342, %add3A_337, %broadcast_in_dim3A_344 : vector<16xi1>, vector<16xi32>
        %swap3A_346 = arith.constant 0 : i32
        %swap3A_347 = arith.index_cast %swap3A_346 : i32 to index
        %swap3A_348 = arith.constant 48 : index
        %swap3A_349 = tpu.vector_load %arg14[%swap3A_347, %swap3A_348] {strides = array<i32>} : memref<1x128xi32, #tpu.memory_space<vmem>>, vector<16xi32>,
        tpu.vector_store %arg14[%swap3A_347, %swap3A_348], %select_n3A_345 {strides = array<i32>} : memref<1x128xi32, #tpu.memory_space<vmem>>, vector<16xi32>,
        tpu.vector_store_idx %arg17[%iota3A, %select_n3A_345], %broadcast_in_dim3A_1 {add = true} : memref<16x1152xf32, #tpu.memory_space<vmem>>[vector<16xi32>, vector<16xi32>], vector<16xf32>,
        %get3A_350 = arith.constant 0 : i32
        %get3A_351 = arith.index_cast %get3A_350 : i32 to index
        %get3A_352 = arith.constant 64 : index
        %get3A_353 = tpu.vector_load %arg11[%get3A_351, %get3A_352] {strides = array<i32>} : memref<2x128xi32, #tpu.memory_space<vmem>>, vector<16xi32>,
        %get3A_354 = arith.constant 1 : i32
        %get3A_355 = arith.index_cast %get3A_354 : i32 to index
        %get3A_356 = arith.constant 64 : index
        %get3A_357 = tpu.vector_load %arg11[%get3A_355, %get3A_356] {strides = array<i32>} : memref<2x128xi32, #tpu.memory_space<vmem>>, vector<16xi32>,
        %eq3A_358 = arith.constant 100 : i32
        %eq3A_359 = vector.broadcast %eq3A_358 : i32 to vector<16xi32>
        %eq3A_360 = arith.cmpi eq, %get3A_353, %eq3A_359 : vector<16xi32>
        %jit3A_361 = arith.constant 512 : i32
        %jit3A_362 = arith.constant 0 : i32
        %broadcast_in_dim3A_363 = vector.broadcast %jit3A_361 : i32 to vector<16xi32>
        %broadcast_in_dim3A_364 = vector.broadcast %jit3A_362 : i32 to vector<16xi32>
        %select_n3A_365 = arith.select %eq3A_360, %broadcast_in_dim3A_363, %broadcast_in_dim3A_364 : vector<16xi1>, vector<16xi32>
        %add3A_366 = arith.addi %get3A_357, %select_n3A_365 : vector<16xi32>
        %add3A_367 = arith.constant 64 : i32
        %add3A_368 = vector.broadcast %add3A_367 : i32 to vector<16xi32>
        %add3A_369 = arith.addi %add3A_368, %iota3A : vector<16xi32>
        %ge3A_370 = vector.broadcast %select_n3A_236 : i32 to vector<16xi32>
        %ge3A_371 = arith.cmpi sge, %add3A_369, %ge3A_370 : vector<16xi32>
        %jit3A_372 = arith.constant 1024 : i32
        %broadcast_in_dim3A_373 = vector.broadcast %jit3A_372 : i32 to vector<16xi32>
        %select_n3A_374 = arith.select %ge3A_371, %add3A_366, %broadcast_in_dim3A_373 : vector<16xi1>, vector<16xi32>
        %swap3A_375 = arith.constant 0 : i32
        %swap3A_376 = arith.index_cast %swap3A_375 : i32 to index
        %swap3A_377 = arith.constant 64 : index
        %swap3A_378 = tpu.vector_load %arg14[%swap3A_376, %swap3A_377] {strides = array<i32>} : memref<1x128xi32, #tpu.memory_space<vmem>>, vector<16xi32>,
        tpu.vector_store %arg14[%swap3A_376, %swap3A_377], %select_n3A_374 {strides = array<i32>} : memref<1x128xi32, #tpu.memory_space<vmem>>, vector<16xi32>,
        tpu.vector_store_idx %arg17[%iota3A, %select_n3A_374], %broadcast_in_dim3A_1 {add = true} : memref<16x1152xf32, #tpu.memory_space<vmem>>[vector<16xi32>, vector<16xi32>], vector<16xf32>,
        %get3A_379 = arith.constant 0 : i32
        %get3A_380 = arith.index_cast %get3A_379 : i32 to index
        %get3A_381 = arith.constant 80 : index
        %get3A_382 = tpu.vector_load %arg11[%get3A_380, %get3A_381] {strides = array<i32>} : memref<2x128xi32, #tpu.memory_space<vmem>>, vector<16xi32>,
        %get3A_383 = arith.constant 1 : i32
        %get3A_384 = arith.index_cast %get3A_383 : i32 to index
        %get3A_385 = arith.constant 80 : index
        %get3A_386 = tpu.vector_load %arg11[%get3A_384, %get3A_385] {strides = array<i32>} : memref<2x128xi32, #tpu.memory_space<vmem>>, vector<16xi32>,
        %eq3A_387 = arith.constant 100 : i32
        %eq3A_388 = vector.broadcast %eq3A_387 : i32 to vector<16xi32>
        %eq3A_389 = arith.cmpi eq, %get3A_382, %eq3A_388 : vector<16xi32>
        %jit3A_390 = arith.constant 512 : i32
        %jit3A_391 = arith.constant 0 : i32
        %broadcast_in_dim3A_392 = vector.broadcast %jit3A_390 : i32 to vector<16xi32>
        %broadcast_in_dim3A_393 = vector.broadcast %jit3A_391 : i32 to vector<16xi32>
        %select_n3A_394 = arith.select %eq3A_389, %broadcast_in_dim3A_392, %broadcast_in_dim3A_393 : vector<16xi1>, vector<16xi32>
        %add3A_395 = arith.addi %get3A_386, %select_n3A_394 : vector<16xi32>
        %add3A_396 = arith.constant 80 : i32
        %add3A_397 = vector.broadcast %add3A_396 : i32 to vector<16xi32>
        %add3A_398 = arith.addi %add3A_397, %iota3A : vector<16xi32>
        %ge3A_399 = vector.broadcast %select_n3A_236 : i32 to vector<16xi32>
        %ge3A_400 = arith.cmpi sge, %add3A_398, %ge3A_399 : vector<16xi32>
        %jit3A_401 = arith.constant 1024 : i32
        %broadcast_in_dim3A_402 = vector.broadcast %jit3A_401 : i32 to vector<16xi32>
        %select_n3A_403 = arith.select %ge3A_400, %add3A_395, %broadcast_in_dim3A_402 : vector<16xi1>, vector<16xi32>
        %swap3A_404 = arith.constant 0 : i32
        %swap3A_405 = arith.index_cast %swap3A_404 : i32 to index
        %swap3A_406 = arith.constant 80 : index
        %swap3A_407 = tpu.vector_load %arg14[%swap3A_405, %swap3A_406] {strides = array<i32>} : memref<1x128xi32, #tpu.memory_space<vmem>>, vector<16xi32>,
        tpu.vector_store %arg14[%swap3A_405, %swap3A_406], %select_n3A_403 {strides = array<i32>} : memref<1x128xi32, #tpu.memory_space<vmem>>, vector<16xi32>,
        tpu.vector_store_idx %arg17[%iota3A, %select_n3A_403], %broadcast_in_dim3A_1 {add = true} : memref<16x1152xf32, #tpu.memory_space<vmem>>[vector<16xi32>, vector<16xi32>], vector<16xf32>,
        %get3A_408 = arith.constant 0 : i32
        %get3A_409 = arith.index_cast %get3A_408 : i32 to index
        %get3A_410 = arith.constant 96 : index
        %get3A_411 = tpu.vector_load %arg11[%get3A_409, %get3A_410] {strides = array<i32>} : memref<2x128xi32, #tpu.memory_space<vmem>>, vector<16xi32>,
        %get3A_412 = arith.constant 1 : i32
        %get3A_413 = arith.index_cast %get3A_412 : i32 to index
        %get3A_414 = arith.constant 96 : index
        %get3A_415 = tpu.vector_load %arg11[%get3A_413, %get3A_414] {strides = array<i32>} : memref<2x128xi32, #tpu.memory_space<vmem>>, vector<16xi32>,
        %eq3A_416 = arith.constant 100 : i32
        %eq3A_417 = vector.broadcast %eq3A_416 : i32 to vector<16xi32>
        %eq3A_418 = arith.cmpi eq, %get3A_411, %eq3A_417 : vector<16xi32>
        %jit3A_419 = arith.constant 512 : i32
        %jit3A_420 = arith.constant 0 : i32
        %broadcast_in_dim3A_421 = vector.broadcast %jit3A_419 : i32 to vector<16xi32>
        %broadcast_in_dim3A_422 = vector.broadcast %jit3A_420 : i32 to vector<16xi32>
        %select_n3A_423 = arith.select %eq3A_418, %broadcast_in_dim3A_421, %broadcast_in_dim3A_422 : vector<16xi1>, vector<16xi32>
        %add3A_424 = arith.addi %get3A_415, %select_n3A_423 : vector<16xi32>
        %add3A_425 = arith.constant 96 : i32
        %add3A_426 = vector.broadcast %add3A_425 : i32 to vector<16xi32>
        %add3A_427 = arith.addi %add3A_426, %iota3A : vector<16xi32>
        %ge3A_428 = vector.broadcast %select_n3A_236 : i32 to vector<16xi32>
        %ge3A_429 = arith.cmpi sge, %add3A_427, %ge3A_428 : vector<16xi32>
        %jit3A_430 = arith.constant 1024 : i32
        %broadcast_in_dim3A_431 = vector.broadcast %jit3A_430 : i32 to vector<16xi32>
        %select_n3A_432 = arith.select %ge3A_429, %add3A_424, %broadcast_in_dim3A_431 : vector<16xi1>, vector<16xi32>
        %swap3A_433 = arith.constant 0 : i32
        %swap3A_434 = arith.index_cast %swap3A_433 : i32 to index
        %swap3A_435 = arith.constant 96 : index
        %swap3A_436 = tpu.vector_load %arg14[%swap3A_434, %swap3A_435] {strides = array<i32>} : memref<1x128xi32, #tpu.memory_space<vmem>>, vector<16xi32>,
        tpu.vector_store %arg14[%swap3A_434, %swap3A_435], %select_n3A_432 {strides = array<i32>} : memref<1x128xi32, #tpu.memory_space<vmem>>, vector<16xi32>,
        tpu.vector_store_idx %arg17[%iota3A, %select_n3A_432], %broadcast_in_dim3A_1 {add = true} : memref<16x1152xf32, #tpu.memory_space<vmem>>[vector<16xi32>, vector<16xi32>], vector<16xf32>,
        %get3A_437 = arith.constant 0 : i32
        %get3A_438 = arith.index_cast %get3A_437 : i32 to index
        %get3A_439 = arith.constant 112 : index
        %get3A_440 = tpu.vector_load %arg11[%get3A_438, %get3A_439] {strides = array<i32>} : memref<2x128xi32, #tpu.memory_space<vmem>>, vector<16xi32>,
        %get3A_441 = arith.constant 1 : i32
        %get3A_442 = arith.index_cast %get3A_441 : i32 to index
        %get3A_443 = arith.constant 112 : index
        %get3A_444 = tpu.vector_load %arg11[%get3A_442, %get3A_443] {strides = array<i32>} : memref<2x128xi32, #tpu.memory_space<vmem>>, vector<16xi32>,
        %eq3A_445 = arith.constant 100 : i32
        %eq3A_446 = vector.broadcast %eq3A_445 : i32 to vector<16xi32>
        %eq3A_447 = arith.cmpi eq, %get3A_440, %eq3A_446 : vector<16xi32>
        %jit3A_448 = arith.constant 512 : i32
        %jit3A_449 = arith.constant 0 : i32
        %broadcast_in_dim3A_450 = vector.broadcast %jit3A_448 : i32 to vector<16xi32>
        %broadcast_in_dim3A_451 = vector.broadcast %jit3A_449 : i32 to vector<16xi32>
        %select_n3A_452 = arith.select %eq3A_447, %broadcast_in_dim3A_450, %broadcast_in_dim3A_451 : vector<16xi1>, vector<16xi32>
        %add3A_453 = arith.addi %get3A_444, %select_n3A_452 : vector<16xi32>
        %add3A_454 = arith.constant 112 : i32
        %add3A_455 = vector.broadcast %add3A_454 : i32 to vector<16xi32>
        %add3A_456 = arith.addi %add3A_455, %iota3A : vector<16xi32>
        %ge3A_457 = vector.broadcast %select_n3A_236 : i32 to vector<16xi32>
        %ge3A_458 = arith.cmpi sge, %add3A_456, %ge3A_457 : vector<16xi32>
        %jit3A_459 = arith.constant 1024 : i32
        %broadcast_in_dim3A_460 = vector.broadcast %jit3A_459 : i32 to vector<16xi32>
        %select_n3A_461 = arith.select %ge3A_458, %add3A_453, %broadcast_in_dim3A_460 : vector<16xi1>, vector<16xi32>
        %swap3A_462 = arith.constant 0 : i32
        %swap3A_463 = arith.index_cast %swap3A_462 : i32 to index
        %swap3A_464 = arith.constant 112 : index
        %swap3A_465 = tpu.vector_load %arg14[%swap3A_463, %swap3A_464] {strides = array<i32>} : memref<1x128xi32, #tpu.memory_space<vmem>>, vector<16xi32>,
        tpu.vector_store %arg14[%swap3A_463, %swap3A_464], %select_n3A_461 {strides = array<i32>} : memref<1x128xi32, #tpu.memory_space<vmem>>, vector<16xi32>,
        tpu.vector_store_idx %arg17[%iota3A, %select_n3A_461], %broadcast_in_dim3A_1 {add = true} : memref<16x1152xf32, #tpu.memory_space<vmem>>[vector<16xi32>, vector<16xi32>], vector<16xf32>,
        %dma_start3A_466 = arith.constant 0 : i32
        %dma_start3A_467 = arith.constant 0 : i32
        %dma_start3A_468 = tpu.memref_slice %arg14[%dma_start3A_466, %dma_start3A_467] : memref<1x128xi32, #tpu.memory_space<vmem>> -> memref<1x128xi32, #tpu.memory_space<vmem>>
        %dma_start3A_469 = tpu.memref_squeeze %dma_start3A_468 : memref<1x128xi32, #tpu.memory_space<vmem>> -> memref<128xi32, #tpu.memory_space<vmem>>
        %dma_start3A_470 = arith.constant 0 : i32
        %dma_start3A_471 = arith.constant 0 : i32
        %dma_start3A_472 = tpu.memref_slice %arg7[%dma_start3A_470, %dma_start3A_471] : memref<1152x128xf32, #tpu.memory_space<vmem_shared>> -> memref<1152x128xf32, #tpu.memory_space<vmem_shared>>
        tpu.enqueue_indirect_dma source(%arg8 : memref<128x128xf32, #tpu.memory_space<vmem>>) target(%dma_start3A_472 : memref<1152x128xf32, #tpu.memory_space<vmem_shared>>) offsets(%dma_start3A_469 : memref<128xi32, #tpu.memory_space<vmem>>) semaphore(%arg23 : memref<!tpu.dma_semaphore, #tpu.memory_space<semaphore_mem>>) {add = true}
        %ge3A_473 = arith.constant 1 : i32
        %ge3A_474 = arith.cmpi sge, %add3A_175, %ge3A_473 : i32
        %convert_element_type3A_475 = arith.extui %ge3A_474 : i1 to i32
        %cond3A_476 = arith.constant 0 : i32
        %cond3A_477 = arith.cmpi ne, %convert_element_type3A_475, %cond3A_476 : i32
        scf.if %cond3A_477 {
          %dma_wait3A_488 = arith.constant 0 : i32
          %dma_wait3A_489 = arith.constant 0 : i32
          %dma_wait3A_490 = tpu.memref_slice %arg16[%dma_wait3A_488, %dma_wait3A_489] : memref<1x128xi32, #tpu.memory_space<vmem>> -> memref<1x128xi32, #tpu.memory_space<vmem>>
          %dma_wait3A_491 = tpu.memref_squeeze %dma_wait3A_490 : memref<1x128xi32, #tpu.memory_space<vmem>> -> memref<128xi32, #tpu.memory_space<vmem>>
          %dma_wait3A_492 = arith.constant 0 : i32
          %dma_wait3A_493 = arith.constant 0 : i32
          %dma_wait3A_494 = tpu.memref_slice %arg7[%dma_wait3A_492, %dma_wait3A_493] : memref<1152x128xf32, #tpu.memory_space<vmem_shared>> -> memref<1152x128xf32, #tpu.memory_space<vmem_shared>>
          tpu.wait_indirect_dma semaphore(%arg25 : memref<!tpu.dma_semaphore, #tpu.memory_space<semaphore_mem>>) src(%arg10 : memref<128x128xf32, #tpu.memory_space<vmem>>) dst(%dma_wait3A_494 : memref<1152x128xf32, #tpu.memory_space<vmem_shared>>)
        } else {
        }
        %ge3A_478 = arith.constant 1 : i32
        %ge3A_479 = arith.cmpi sge, %add3A_175, %ge3A_478 : i32
        %add3A_480 = arith.constant 3 : i32
        %add3A_481 = arith.addi %add3A_175, %add3A_480 : i32
        %sub3A = arith.constant 1 : i32
        %sub3A_482 = arith.subi %add3A_481, %sub3A : i32
        %lt3A_483 = arith.constant 25 : i32
        %lt3A_484 = arith.cmpi slt, %sub3A_482, %lt3A_483 : i32
        %and3A = arith.andi %ge3A_479, %lt3A_484 : i1
        %convert_element_type3A_485 = arith.extui %and3A : i1 to i32
        %cond3A_486 = arith.constant 0 : i32
        %cond3A_487 = arith.cmpi ne, %convert_element_type3A_485, %cond3A_486 : i32
        scf.if %cond3A_487 {
          %add3A_488 = arith.constant 3 : i32
          %add3A_489 = arith.addi %add3A_175, %add3A_488 : i32
          %sub3A_490 = arith.constant 1 : i32
          %sub3A_491 = arith.subi %add3A_489, %sub3A_490 : i32
          %mul3A_492 = arith.constant 32 : i32
          %mul3A_493 = arith.muli %mul3A_492, %sub3A_491 : i32
          %add3A_494 = arith.addi %add3A, %mul3A_493 : i32
          %lt3A_495 = arith.constant 781 : i32
          %lt3A_496 = arith.cmpi slt, %add3A_494, %lt3A_495 : i32
          %mul3A_497 = arith.constant 128 : i32
          %mul3A_498 = arith.muli %add3A_494, %mul3A_497 : i32
          %jit3A_499 = arith.constant 99872 : i32
          %select_n3A_500 = arith.select %lt3A_496, %mul3A_498, %jit3A_499 : i32
          %multiple_of3A_501 = tpu.assume_multiple %select_n3A_500, 8 : i32
          %dma_start3A_502 = arith.constant 0 : i32
          %dma_start3A_503 = arith.constant 0 : i32
          %dma_start3A_504 = tpu.memref_slice %arg13[%dma_start3A_502, %dma_start3A_503] : memref<2x128xi32, #tpu.memory_space<vmem>> -> memref<1x128xi32, #tpu.memory_space<vmem>>
          %dma_start3A_505 = tpu.memref_squeeze %dma_start3A_504 : memref<1x128xi32, #tpu.memory_space<vmem>> -> memref<128xi32, #tpu.memory_space<vmem>>
          %dma_start3A_506 = tpu.memref_slice %arg3[%multiple_of3A_501] : memref<100000xi32, #tpu.memory_space<hbm>> -> memref<128xi32, #tpu.memory_space<hbm>>
          %dma_start3A_507 = arith.constant 0 : i32
          %dma_start3A_508 = tpu.memref_slice %arg13[%dma_start3A_502, %dma_start3A_507] : memref<2x128xi32, #tpu.memory_space<vmem>> -> memref<1x128xi32, #tpu.memory_space<vmem>>
          %dma_start3A_509 = tpu.memref_squeeze %dma_start3A_508 : memref<1x128xi32, #tpu.memory_space<vmem>> -> memref<128xi32, #tpu.memory_space<vmem>>
          %dma_start3A_510 = tpu.memref_slice %arg3[%multiple_of3A_501] : memref<100000xi32, #tpu.memory_space<hbm>> -> memref<128xi32, #tpu.memory_space<hbm>>
          tpu.enqueue_dma source(%dma_start3A_510 : memref<128xi32, #tpu.memory_space<hbm>>) target(%dma_start3A_509 : memref<128xi32, #tpu.memory_space<vmem>>) target_semaphore(%arg22 : memref<!tpu.dma_semaphore, #tpu.memory_space<semaphore_mem>>)
          %dma_start3A_511 = arith.constant 1 : i32
          %dma_start3A_512 = arith.constant 0 : i32
          %dma_start3A_513 = tpu.memref_slice %arg13[%dma_start3A_511, %dma_start3A_512] : memref<2x128xi32, #tpu.memory_space<vmem>> -> memref<1x128xi32, #tpu.memory_space<vmem>>
          %dma_start3A_514 = tpu.memref_squeeze %dma_start3A_513 : memref<1x128xi32, #tpu.memory_space<vmem>> -> memref<128xi32, #tpu.memory_space<vmem>>
          %dma_start3A_515 = tpu.memref_slice %arg4[%multiple_of3A_501] : memref<100000xi32, #tpu.memory_space<hbm>> -> memref<128xi32, #tpu.memory_space<hbm>>
          %dma_start3A_516 = arith.constant 0 : i32
          %dma_start3A_517 = tpu.memref_slice %arg13[%dma_start3A_511, %dma_start3A_516] : memref<2x128xi32, #tpu.memory_space<vmem>> -> memref<1x128xi32, #tpu.memory_space<vmem>>
          %dma_start3A_518 = tpu.memref_squeeze %dma_start3A_517 : memref<1x128xi32, #tpu.memory_space<vmem>> -> memref<128xi32, #tpu.memory_space<vmem>>
          %dma_start3A_519 = tpu.memref_slice %arg4[%multiple_of3A_501] : memref<100000xi32, #tpu.memory_space<hbm>> -> memref<128xi32, #tpu.memory_space<hbm>>
          tpu.enqueue_dma source(%dma_start3A_519 : memref<128xi32, #tpu.memory_space<hbm>>) target(%dma_start3A_518 : memref<128xi32, #tpu.memory_space<vmem>>) target_semaphore(%arg22 : memref<!tpu.dma_semaphore, #tpu.memory_space<semaphore_mem>>)
          %dma_start3A_520 = arith.constant 0 : i32
          %dma_start3A_521 = tpu.memref_slice %arg2[%multiple_of3A_501, %dma_start3A_520] : memref<100000x128xf32, #tpu.memory_space<hbm>> -> memref<128x128xf32, #tpu.memory_space<hbm>>
          %dma_start3A_522 = arith.constant 0 : i32
          %dma_start3A_523 = tpu.memref_slice %arg2[%multiple_of3A_501, %dma_start3A_522] : memref<100000x128xf32, #tpu.memory_space<hbm>> -> memref<128x128xf32, #tpu.memory_space<hbm>>
          tpu.enqueue_dma source(%dma_start3A_523 : memref<128x128xf32, #tpu.memory_space<hbm>>) target(%arg10 : memref<128x128xf32, #tpu.memory_space<vmem>>) target_semaphore(%arg22 : memref<!tpu.dma_semaphore, #tpu.memory_space<semaphore_mem>>)
        } else {
        }
      } else {
      }
      %mul3A_179 = arith.constant 3 : i32
      %mul3A_180 = arith.muli %mul3A_179, %scan3A_170 : i32
      %add3A_181 = arith.constant 1 : i32
      %add3A_182 = arith.addi %mul3A_180, %add3A_181 : i32
      %lt3A_183 = arith.constant 25 : i32
      %lt3A_184 = arith.cmpi slt, %add3A_182, %lt3A_183 : i32
      %convert_element_type3A_185 = arith.extui %lt3A_184 : i1 to i32
      %cond3A_186 = arith.constant 0 : i32
      %cond3A_187 = arith.cmpi ne, %convert_element_type3A_185, %cond3A_186 : i32
      scf.if %cond3A_187 {
        %dma_wait3A_198 = arith.constant 0 : i32
        %dma_wait3A_199 = arith.constant 0 : i32
        %dma_wait3A_200 = tpu.memref_slice %arg12[%dma_wait3A_198, %dma_wait3A_199] : memref<2x128xi32, #tpu.memory_space<vmem>> -> memref<1x128xi32, #tpu.memory_space<vmem>>
        %dma_wait3A_201 = tpu.memref_squeeze %dma_wait3A_200 : memref<1x128xi32, #tpu.memory_space<vmem>> -> memref<128xi32, #tpu.memory_space<vmem>>
        %dma_wait3A_202 = arith.constant 0 : i32
        %dma_wait3A_203 = tpu.memref_slice %arg3[%dma_wait3A_202] : memref<100000xi32, #tpu.memory_space<hbm>> -> memref<128xi32, #tpu.memory_space<hbm>>
        %dma_wait3A_204 = arith.constant 0 : i32
        %dma_wait3A_205 = tpu.memref_slice %arg12[%dma_wait3A_198, %dma_wait3A_204] : memref<2x128xi32, #tpu.memory_space<vmem>> -> memref<1x128xi32, #tpu.memory_space<vmem>>
        %dma_wait3A_206 = tpu.memref_squeeze %dma_wait3A_205 : memref<1x128xi32, #tpu.memory_space<vmem>> -> memref<128xi32, #tpu.memory_space<vmem>>
        %dma_wait3A_207 = arith.constant 0 : i32
        %dma_wait3A_208 = tpu.memref_slice %arg3[%dma_wait3A_207] : memref<100000xi32, #tpu.memory_space<hbm>> -> memref<128xi32, #tpu.memory_space<hbm>>
        tpu.wait_dma2 semaphore(%arg21 : memref<!tpu.dma_semaphore, #tpu.memory_space<semaphore_mem>>) src(%dma_wait3A_208 : memref<128xi32, #tpu.memory_space<hbm>>) dst(%dma_wait3A_206 : memref<128xi32, #tpu.memory_space<vmem>>)
        %dma_wait3A_209 = arith.constant 1 : i32
        %dma_wait3A_210 = arith.constant 0 : i32
        %dma_wait3A_211 = tpu.memref_slice %arg12[%dma_wait3A_209, %dma_wait3A_210] : memref<2x128xi32, #tpu.memory_space<vmem>> -> memref<1x128xi32, #tpu.memory_space<vmem>>
        %dma_wait3A_212 = tpu.memref_squeeze %dma_wait3A_211 : memref<1x128xi32, #tpu.memory_space<vmem>> -> memref<128xi32, #tpu.memory_space<vmem>>
        %dma_wait3A_213 = arith.constant 0 : i32
        %dma_wait3A_214 = tpu.memref_slice %arg4[%dma_wait3A_213] : memref<100000xi32, #tpu.memory_space<hbm>> -> memref<128xi32, #tpu.memory_space<hbm>>
        %dma_wait3A_215 = arith.constant 0 : i32
        %dma_wait3A_216 = tpu.memref_slice %arg12[%dma_wait3A_209, %dma_wait3A_215] : memref<2x128xi32, #tpu.memory_space<vmem>> -> memref<1x128xi32, #tpu.memory_space<vmem>>
        %dma_wait3A_217 = tpu.memref_squeeze %dma_wait3A_216 : memref<1x128xi32, #tpu.memory_space<vmem>> -> memref<128xi32, #tpu.memory_space<vmem>>
        %dma_wait3A_218 = arith.constant 0 : i32
        %dma_wait3A_219 = tpu.memref_slice %arg4[%dma_wait3A_218] : memref<100000xi32, #tpu.memory_space<hbm>> -> memref<128xi32, #tpu.memory_space<hbm>>
        tpu.wait_dma2 semaphore(%arg21 : memref<!tpu.dma_semaphore, #tpu.memory_space<semaphore_mem>>) src(%dma_wait3A_219 : memref<128xi32, #tpu.memory_space<hbm>>) dst(%dma_wait3A_217 : memref<128xi32, #tpu.memory_space<vmem>>)
        %dma_wait3A_220 = arith.constant 0 : i32
        %dma_wait3A_221 = arith.constant 0 : i32
        %dma_wait3A_222 = tpu.memref_slice %arg2[%dma_wait3A_220, %dma_wait3A_221] : memref<100000x128xf32, #tpu.memory_space<hbm>> -> memref<128x128xf32, #tpu.memory_space<hbm>>
        %dma_wait3A_223 = arith.constant 0 : i32
        %dma_wait3A_224 = arith.constant 0 : i32
        %dma_wait3A_225 = tpu.memref_slice %arg2[%dma_wait3A_223, %dma_wait3A_224] : memref<100000x128xf32, #tpu.memory_space<hbm>> -> memref<128x128xf32, #tpu.memory_space<hbm>>
        tpu.wait_dma2 semaphore(%arg21 : memref<!tpu.dma_semaphore, #tpu.memory_space<semaphore_mem>>) src(%dma_wait3A_225 : memref<128x128xf32, #tpu.memory_space<hbm>>) dst(%arg9 : memref<128x128xf32, #tpu.memory_space<vmem>>)
        %mul3A_226 = arith.constant 32 : i32
        %mul3A_227 = arith.muli %mul3A_226, %add3A_182 : i32
        %add3A_228 = arith.addi %add3A, %mul3A_227 : i32
        %lt3A_229 = arith.constant 781 : i32
        %lt3A_230 = arith.cmpi slt, %add3A_228, %lt3A_229 : i32
        %eq3A = arith.constant 781 : i32
        %eq3A_231 = arith.cmpi eq, %add3A_228, %eq3A : i32
        %jit3A_232 = arith.constant 96 : i32
        %jit3A_233 = arith.constant 128 : i32
        %select_n3A_234 = arith.select %eq3A_231, %jit3A_232, %jit3A_233 : i32
        %jit3A_235 = arith.constant 0 : i32
        %select_n3A_236 = arith.select %lt3A_230, %jit3A_235, %select_n3A_234 : i32
        %get3A = arith.constant 0 : i32
        %get3A_237 = arith.index_cast %get3A : i32 to index
        %get3A_238 = arith.constant 0 : index
        %get3A_239 = tpu.vector_load %arg12[%get3A_237, %get3A_238] {strides = array<i32>} : memref<2x128xi32, #tpu.memory_space<vmem>>, vector<16xi32>,
        %get3A_240 = arith.constant 1 : i32
        %get3A_241 = arith.index_cast %get3A_240 : i32 to index
        %get3A_242 = arith.constant 0 : index
        %get3A_243 = tpu.vector_load %arg12[%get3A_241, %get3A_242] {strides = array<i32>} : memref<2x128xi32, #tpu.memory_space<vmem>>, vector<16xi32>,
        %eq3A_244 = arith.constant 100 : i32
        %eq3A_245 = vector.broadcast %eq3A_244 : i32 to vector<16xi32>
        %eq3A_246 = arith.cmpi eq, %get3A_239, %eq3A_245 : vector<16xi32>
        %jit3A_247 = arith.constant 512 : i32
        %jit3A_248 = arith.constant 0 : i32
        %broadcast_in_dim3A_249 = vector.broadcast %jit3A_247 : i32 to vector<16xi32>
        %broadcast_in_dim3A_250 = vector.broadcast %jit3A_248 : i32 to vector<16xi32>
        %select_n3A_251 = arith.select %eq3A_246, %broadcast_in_dim3A_249, %broadcast_in_dim3A_250 : vector<16xi1>, vector<16xi32>
        %add3A_252 = arith.addi %get3A_243, %select_n3A_251 : vector<16xi32>
        %add3A_253 = arith.constant 0 : i32
        %add3A_254 = vector.broadcast %add3A_253 : i32 to vector<16xi32>
        %add3A_255 = arith.addi %add3A_254, %iota3A : vector<16xi32>
        %ge3A = vector.broadcast %select_n3A_236 : i32 to vector<16xi32>
        %ge3A_256 = arith.cmpi sge, %add3A_255, %ge3A : vector<16xi32>
        %jit3A_257 = arith.constant 1024 : i32
        %broadcast_in_dim3A_258 = vector.broadcast %jit3A_257 : i32 to vector<16xi32>
        %select_n3A_259 = arith.select %ge3A_256, %add3A_252, %broadcast_in_dim3A_258 : vector<16xi1>, vector<16xi32>
        %swap3A = arith.constant 0 : i32
        %swap3A_260 = arith.index_cast %swap3A : i32 to index
        %swap3A_261 = arith.constant 0 : index
        %swap3A_262 = tpu.vector_load %arg15[%swap3A_260, %swap3A_261] {strides = array<i32>} : memref<1x128xi32, #tpu.memory_space<vmem>>, vector<16xi32>,
        tpu.vector_store %arg15[%swap3A_260, %swap3A_261], %select_n3A_259 {strides = array<i32>} : memref<1x128xi32, #tpu.memory_space<vmem>>, vector<16xi32>,
        tpu.vector_store_idx %arg17[%iota3A, %select_n3A_259], %broadcast_in_dim3A_1 {add = true} : memref<16x1152xf32, #tpu.memory_space<vmem>>[vector<16xi32>, vector<16xi32>], vector<16xf32>,
        %get3A_263 = arith.constant 0 : i32
        %get3A_264 = arith.index_cast %get3A_263 : i32 to index
        %get3A_265 = arith.constant 16 : index
        %get3A_266 = tpu.vector_load %arg12[%get3A_264, %get3A_265] {strides = array<i32>} : memref<2x128xi32, #tpu.memory_space<vmem>>, vector<16xi32>,
        %get3A_267 = arith.constant 1 : i32
        %get3A_268 = arith.index_cast %get3A_267 : i32 to index
        %get3A_269 = arith.constant 16 : index
        %get3A_270 = tpu.vector_load %arg12[%get3A_268, %get3A_269] {strides = array<i32>} : memref<2x128xi32, #tpu.memory_space<vmem>>, vector<16xi32>,
        %eq3A_271 = arith.constant 100 : i32
        %eq3A_272 = vector.broadcast %eq3A_271 : i32 to vector<16xi32>
        %eq3A_273 = arith.cmpi eq, %get3A_266, %eq3A_272 : vector<16xi32>
        %jit3A_274 = arith.constant 512 : i32
        %jit3A_275 = arith.constant 0 : i32
        %broadcast_in_dim3A_276 = vector.broadcast %jit3A_274 : i32 to vector<16xi32>
        %broadcast_in_dim3A_277 = vector.broadcast %jit3A_275 : i32 to vector<16xi32>
        %select_n3A_278 = arith.select %eq3A_273, %broadcast_in_dim3A_276, %broadcast_in_dim3A_277 : vector<16xi1>, vector<16xi32>
        %add3A_279 = arith.addi %get3A_270, %select_n3A_278 : vector<16xi32>
        %add3A_280 = arith.constant 16 : i32
        %add3A_281 = vector.broadcast %add3A_280 : i32 to vector<16xi32>
        %add3A_282 = arith.addi %add3A_281, %iota3A : vector<16xi32>
        %ge3A_283 = vector.broadcast %select_n3A_236 : i32 to vector<16xi32>
        %ge3A_284 = arith.cmpi sge, %add3A_282, %ge3A_283 : vector<16xi32>
        %jit3A_285 = arith.constant 1024 : i32
        %broadcast_in_dim3A_286 = vector.broadcast %jit3A_285 : i32 to vector<16xi32>
        %select_n3A_287 = arith.select %ge3A_284, %add3A_279, %broadcast_in_dim3A_286 : vector<16xi1>, vector<16xi32>
        %swap3A_288 = arith.constant 0 : i32
        %swap3A_289 = arith.index_cast %swap3A_288 : i32 to index
        %swap3A_290 = arith.constant 16 : index
        %swap3A_291 = tpu.vector_load %arg15[%swap3A_289, %swap3A_290] {strides = array<i32>} : memref<1x128xi32, #tpu.memory_space<vmem>>, vector<16xi32>,
        tpu.vector_store %arg15[%swap3A_289, %swap3A_290], %select_n3A_287 {strides = array<i32>} : memref<1x128xi32, #tpu.memory_space<vmem>>, vector<16xi32>,
        tpu.vector_store_idx %arg17[%iota3A, %select_n3A_287], %broadcast_in_dim3A_1 {add = true} : memref<16x1152xf32, #tpu.memory_space<vmem>>[vector<16xi32>, vector<16xi32>], vector<16xf32>,
        %get3A_292 = arith.constant 0 : i32
        %get3A_293 = arith.index_cast %get3A_292 : i32 to index
        %get3A_294 = arith.constant 32 : index
        %get3A_295 = tpu.vector_load %arg12[%get3A_293, %get3A_294] {strides = array<i32>} : memref<2x128xi32, #tpu.memory_space<vmem>>, vector<16xi32>,
        %get3A_296 = arith.constant 1 : i32
        %get3A_297 = arith.index_cast %get3A_296 : i32 to index
        %get3A_298 = arith.constant 32 : index
        %get3A_299 = tpu.vector_load %arg12[%get3A_297, %get3A_298] {strides = array<i32>} : memref<2x128xi32, #tpu.memory_space<vmem>>, vector<16xi32>,
        %eq3A_300 = arith.constant 100 : i32
        %eq3A_301 = vector.broadcast %eq3A_300 : i32 to vector<16xi32>
        %eq3A_302 = arith.cmpi eq, %get3A_295, %eq3A_301 : vector<16xi32>
        %jit3A_303 = arith.constant 512 : i32
        %jit3A_304 = arith.constant 0 : i32
        %broadcast_in_dim3A_305 = vector.broadcast %jit3A_303 : i32 to vector<16xi32>
        %broadcast_in_dim3A_306 = vector.broadcast %jit3A_304 : i32 to vector<16xi32>
        %select_n3A_307 = arith.select %eq3A_302, %broadcast_in_dim3A_305, %broadcast_in_dim3A_306 : vector<16xi1>, vector<16xi32>
        %add3A_308 = arith.addi %get3A_299, %select_n3A_307 : vector<16xi32>
        %add3A_309 = arith.constant 32 : i32
        %add3A_310 = vector.broadcast %add3A_309 : i32 to vector<16xi32>
        %add3A_311 = arith.addi %add3A_310, %iota3A : vector<16xi32>
        %ge3A_312 = vector.broadcast %select_n3A_236 : i32 to vector<16xi32>
        %ge3A_313 = arith.cmpi sge, %add3A_311, %ge3A_312 : vector<16xi32>
        %jit3A_314 = arith.constant 1024 : i32
        %broadcast_in_dim3A_315 = vector.broadcast %jit3A_314 : i32 to vector<16xi32>
        %select_n3A_316 = arith.select %ge3A_313, %add3A_308, %broadcast_in_dim3A_315 : vector<16xi1>, vector<16xi32>
        %swap3A_317 = arith.constant 0 : i32
        %swap3A_318 = arith.index_cast %swap3A_317 : i32 to index
        %swap3A_319 = arith.constant 32 : index
        %swap3A_320 = tpu.vector_load %arg15[%swap3A_318, %swap3A_319] {strides = array<i32>} : memref<1x128xi32, #tpu.memory_space<vmem>>, vector<16xi32>,
        tpu.vector_store %arg15[%swap3A_318, %swap3A_319], %select_n3A_316 {strides = array<i32>} : memref<1x128xi32, #tpu.memory_space<vmem>>, vector<16xi32>,
        tpu.vector_store_idx %arg17[%iota3A, %select_n3A_316], %broadcast_in_dim3A_1 {add = true} : memref<16x1152xf32, #tpu.memory_space<vmem>>[vector<16xi32>, vector<16xi32>], vector<16xf32>,
        %get3A_321 = arith.constant 0 : i32
        %get3A_322 = arith.index_cast %get3A_321 : i32 to index
        %get3A_323 = arith.constant 48 : index
        %get3A_324 = tpu.vector_load %arg12[%get3A_322, %get3A_323] {strides = array<i32>} : memref<2x128xi32, #tpu.memory_space<vmem>>, vector<16xi32>,
        %get3A_325 = arith.constant 1 : i32
        %get3A_326 = arith.index_cast %get3A_325 : i32 to index
        %get3A_327 = arith.constant 48 : index
        %get3A_328 = tpu.vector_load %arg12[%get3A_326, %get3A_327] {strides = array<i32>} : memref<2x128xi32, #tpu.memory_space<vmem>>, vector<16xi32>,
        %eq3A_329 = arith.constant 100 : i32
        %eq3A_330 = vector.broadcast %eq3A_329 : i32 to vector<16xi32>
        %eq3A_331 = arith.cmpi eq, %get3A_324, %eq3A_330 : vector<16xi32>
        %jit3A_332 = arith.constant 512 : i32
        %jit3A_333 = arith.constant 0 : i32
        %broadcast_in_dim3A_334 = vector.broadcast %jit3A_332 : i32 to vector<16xi32>
        %broadcast_in_dim3A_335 = vector.broadcast %jit3A_333 : i32 to vector<16xi32>
        %select_n3A_336 = arith.select %eq3A_331, %broadcast_in_dim3A_334, %broadcast_in_dim3A_335 : vector<16xi1>, vector<16xi32>
        %add3A_337 = arith.addi %get3A_328, %select_n3A_336 : vector<16xi32>
        %add3A_338 = arith.constant 48 : i32
        %add3A_339 = vector.broadcast %add3A_338 : i32 to vector<16xi32>
        %add3A_340 = arith.addi %add3A_339, %iota3A : vector<16xi32>
        %ge3A_341 = vector.broadcast %select_n3A_236 : i32 to vector<16xi32>
        %ge3A_342 = arith.cmpi sge, %add3A_340, %ge3A_341 : vector<16xi32>
        %jit3A_343 = arith.constant 1024 : i32
        %broadcast_in_dim3A_344 = vector.broadcast %jit3A_343 : i32 to vector<16xi32>
        %select_n3A_345 = arith.select %ge3A_342, %add3A_337, %broadcast_in_dim3A_344 : vector<16xi1>, vector<16xi32>
        %swap3A_346 = arith.constant 0 : i32
        %swap3A_347 = arith.index_cast %swap3A_346 : i32 to index
        %swap3A_348 = arith.constant 48 : index
        %swap3A_349 = tpu.vector_load %arg15[%swap3A_347, %swap3A_348] {strides = array<i32>} : memref<1x128xi32, #tpu.memory_space<vmem>>, vector<16xi32>,
        tpu.vector_store %arg15[%swap3A_347, %swap3A_348], %select_n3A_345 {strides = array<i32>} : memref<1x128xi32, #tpu.memory_space<vmem>>, vector<16xi32>,
        tpu.vector_store_idx %arg17[%iota3A, %select_n3A_345], %broadcast_in_dim3A_1 {add = true} : memref<16x1152xf32, #tpu.memory_space<vmem>>[vector<16xi32>, vector<16xi32>], vector<16xf32>,
        %get3A_350 = arith.constant 0 : i32
        %get3A_351 = arith.index_cast %get3A_350 : i32 to index
        %get3A_352 = arith.constant 64 : index
        %get3A_353 = tpu.vector_load %arg12[%get3A_351, %get3A_352] {strides = array<i32>} : memref<2x128xi32, #tpu.memory_space<vmem>>, vector<16xi32>,
        %get3A_354 = arith.constant 1 : i32
        %get3A_355 = arith.index_cast %get3A_354 : i32 to index
        %get3A_356 = arith.constant 64 : index
        %get3A_357 = tpu.vector_load %arg12[%get3A_355, %get3A_356] {strides = array<i32>} : memref<2x128xi32, #tpu.memory_space<vmem>>, vector<16xi32>,
        %eq3A_358 = arith.constant 100 : i32
        %eq3A_359 = vector.broadcast %eq3A_358 : i32 to vector<16xi32>
        %eq3A_360 = arith.cmpi eq, %get3A_353, %eq3A_359 : vector<16xi32>
        %jit3A_361 = arith.constant 512 : i32
        %jit3A_362 = arith.constant 0 : i32
        %broadcast_in_dim3A_363 = vector.broadcast %jit3A_361 : i32 to vector<16xi32>
        %broadcast_in_dim3A_364 = vector.broadcast %jit3A_362 : i32 to vector<16xi32>
        %select_n3A_365 = arith.select %eq3A_360, %broadcast_in_dim3A_363, %broadcast_in_dim3A_364 : vector<16xi1>, vector<16xi32>
        %add3A_366 = arith.addi %get3A_357, %select_n3A_365 : vector<16xi32>
        %add3A_367 = arith.constant 64 : i32
        %add3A_368 = vector.broadcast %add3A_367 : i32 to vector<16xi32>
        %add3A_369 = arith.addi %add3A_368, %iota3A : vector<16xi32>
        %ge3A_370 = vector.broadcast %select_n3A_236 : i32 to vector<16xi32>
        %ge3A_371 = arith.cmpi sge, %add3A_369, %ge3A_370 : vector<16xi32>
        %jit3A_372 = arith.constant 1024 : i32
        %broadcast_in_dim3A_373 = vector.broadcast %jit3A_372 : i32 to vector<16xi32>
        %select_n3A_374 = arith.select %ge3A_371, %add3A_366, %broadcast_in_dim3A_373 : vector<16xi1>, vector<16xi32>
        %swap3A_375 = arith.constant 0 : i32
        %swap3A_376 = arith.index_cast %swap3A_375 : i32 to index
        %swap3A_377 = arith.constant 64 : index
        %swap3A_378 = tpu.vector_load %arg15[%swap3A_376, %swap3A_377] {strides = array<i32>} : memref<1x128xi32, #tpu.memory_space<vmem>>, vector<16xi32>,
        tpu.vector_store %arg15[%swap3A_376, %swap3A_377], %select_n3A_374 {strides = array<i32>} : memref<1x128xi32, #tpu.memory_space<vmem>>, vector<16xi32>,
        tpu.vector_store_idx %arg17[%iota3A, %select_n3A_374], %broadcast_in_dim3A_1 {add = true} : memref<16x1152xf32, #tpu.memory_space<vmem>>[vector<16xi32>, vector<16xi32>], vector<16xf32>,
        %get3A_379 = arith.constant 0 : i32
        %get3A_380 = arith.index_cast %get3A_379 : i32 to index
        %get3A_381 = arith.constant 80 : index
        %get3A_382 = tpu.vector_load %arg12[%get3A_380, %get3A_381] {strides = array<i32>} : memref<2x128xi32, #tpu.memory_space<vmem>>, vector<16xi32>,
        %get3A_383 = arith.constant 1 : i32
        %get3A_384 = arith.index_cast %get3A_383 : i32 to index
        %get3A_385 = arith.constant 80 : index
        %get3A_386 = tpu.vector_load %arg12[%get3A_384, %get3A_385] {strides = array<i32>} : memref<2x128xi32, #tpu.memory_space<vmem>>, vector<16xi32>,
        %eq3A_387 = arith.constant 100 : i32
        %eq3A_388 = vector.broadcast %eq3A_387 : i32 to vector<16xi32>
        %eq3A_389 = arith.cmpi eq, %get3A_382, %eq3A_388 : vector<16xi32>
        %jit3A_390 = arith.constant 512 : i32
        %jit3A_391 = arith.constant 0 : i32
        %broadcast_in_dim3A_392 = vector.broadcast %jit3A_390 : i32 to vector<16xi32>
        %broadcast_in_dim3A_393 = vector.broadcast %jit3A_391 : i32 to vector<16xi32>
        %select_n3A_394 = arith.select %eq3A_389, %broadcast_in_dim3A_392, %broadcast_in_dim3A_393 : vector<16xi1>, vector<16xi32>
        %add3A_395 = arith.addi %get3A_386, %select_n3A_394 : vector<16xi32>
        %add3A_396 = arith.constant 80 : i32
        %add3A_397 = vector.broadcast %add3A_396 : i32 to vector<16xi32>
        %add3A_398 = arith.addi %add3A_397, %iota3A : vector<16xi32>
        %ge3A_399 = vector.broadcast %select_n3A_236 : i32 to vector<16xi32>
        %ge3A_400 = arith.cmpi sge, %add3A_398, %ge3A_399 : vector<16xi32>
        %jit3A_401 = arith.constant 1024 : i32
        %broadcast_in_dim3A_402 = vector.broadcast %jit3A_401 : i32 to vector<16xi32>
        %select_n3A_403 = arith.select %ge3A_400, %add3A_395, %broadcast_in_dim3A_402 : vector<16xi1>, vector<16xi32>
        %swap3A_404 = arith.constant 0 : i32
        %swap3A_405 = arith.index_cast %swap3A_404 : i32 to index
        %swap3A_406 = arith.constant 80 : index
        %swap3A_407 = tpu.vector_load %arg15[%swap3A_405, %swap3A_406] {strides = array<i32>} : memref<1x128xi32, #tpu.memory_space<vmem>>, vector<16xi32>,
        tpu.vector_store %arg15[%swap3A_405, %swap3A_406], %select_n3A_403 {strides = array<i32>} : memref<1x128xi32, #tpu.memory_space<vmem>>, vector<16xi32>,
        tpu.vector_store_idx %arg17[%iota3A, %select_n3A_403], %broadcast_in_dim3A_1 {add = true} : memref<16x1152xf32, #tpu.memory_space<vmem>>[vector<16xi32>, vector<16xi32>], vector<16xf32>,
        %get3A_408 = arith.constant 0 : i32
        %get3A_409 = arith.index_cast %get3A_408 : i32 to index
        %get3A_410 = arith.constant 96 : index
        %get3A_411 = tpu.vector_load %arg12[%get3A_409, %get3A_410] {strides = array<i32>} : memref<2x128xi32, #tpu.memory_space<vmem>>, vector<16xi32>,
        %get3A_412 = arith.constant 1 : i32
        %get3A_413 = arith.index_cast %get3A_412 : i32 to index
        %get3A_414 = arith.constant 96 : index
        %get3A_415 = tpu.vector_load %arg12[%get3A_413, %get3A_414] {strides = array<i32>} : memref<2x128xi32, #tpu.memory_space<vmem>>, vector<16xi32>,
        %eq3A_416 = arith.constant 100 : i32
        %eq3A_417 = vector.broadcast %eq3A_416 : i32 to vector<16xi32>
        %eq3A_418 = arith.cmpi eq, %get3A_411, %eq3A_417 : vector<16xi32>
        %jit3A_419 = arith.constant 512 : i32
        %jit3A_420 = arith.constant 0 : i32
        %broadcast_in_dim3A_421 = vector.broadcast %jit3A_419 : i32 to vector<16xi32>
        %broadcast_in_dim3A_422 = vector.broadcast %jit3A_420 : i32 to vector<16xi32>
        %select_n3A_423 = arith.select %eq3A_418, %broadcast_in_dim3A_421, %broadcast_in_dim3A_422 : vector<16xi1>, vector<16xi32>
        %add3A_424 = arith.addi %get3A_415, %select_n3A_423 : vector<16xi32>
        %add3A_425 = arith.constant 96 : i32
        %add3A_426 = vector.broadcast %add3A_425 : i32 to vector<16xi32>
        %add3A_427 = arith.addi %add3A_426, %iota3A : vector<16xi32>
        %ge3A_428 = vector.broadcast %select_n3A_236 : i32 to vector<16xi32>
        %ge3A_429 = arith.cmpi sge, %add3A_427, %ge3A_428 : vector<16xi32>
        %jit3A_430 = arith.constant 1024 : i32
        %broadcast_in_dim3A_431 = vector.broadcast %jit3A_430 : i32 to vector<16xi32>
        %select_n3A_432 = arith.select %ge3A_429, %add3A_424, %broadcast_in_dim3A_431 : vector<16xi1>, vector<16xi32>
        %swap3A_433 = arith.constant 0 : i32
        %swap3A_434 = arith.index_cast %swap3A_433 : i32 to index
        %swap3A_435 = arith.constant 96 : index
        %swap3A_436 = tpu.vector_load %arg15[%swap3A_434, %swap3A_435] {strides = array<i32>} : memref<1x128xi32, #tpu.memory_space<vmem>>, vector<16xi32>,
        tpu.vector_store %arg15[%swap3A_434, %swap3A_435], %select_n3A_432 {strides = array<i32>} : memref<1x128xi32, #tpu.memory_space<vmem>>, vector<16xi32>,
        tpu.vector_store_idx %arg17[%iota3A, %select_n3A_432], %broadcast_in_dim3A_1 {add = true} : memref<16x1152xf32, #tpu.memory_space<vmem>>[vector<16xi32>, vector<16xi32>], vector<16xf32>,
        %get3A_437 = arith.constant 0 : i32
        %get3A_438 = arith.index_cast %get3A_437 : i32 to index
        %get3A_439 = arith.constant 112 : index
        %get3A_440 = tpu.vector_load %arg12[%get3A_438, %get3A_439] {strides = array<i32>} : memref<2x128xi32, #tpu.memory_space<vmem>>, vector<16xi32>,
        %get3A_441 = arith.constant 1 : i32
        %get3A_442 = arith.index_cast %get3A_441 : i32 to index
        %get3A_443 = arith.constant 112 : index
        %get3A_444 = tpu.vector_load %arg12[%get3A_442, %get3A_443] {strides = array<i32>} : memref<2x128xi32, #tpu.memory_space<vmem>>, vector<16xi32>,
        %eq3A_445 = arith.constant 100 : i32
        %eq3A_446 = vector.broadcast %eq3A_445 : i32 to vector<16xi32>
        %eq3A_447 = arith.cmpi eq, %get3A_440, %eq3A_446 : vector<16xi32>
        %jit3A_448 = arith.constant 512 : i32
        %jit3A_449 = arith.constant 0 : i32
        %broadcast_in_dim3A_450 = vector.broadcast %jit3A_448 : i32 to vector<16xi32>
        %broadcast_in_dim3A_451 = vector.broadcast %jit3A_449 : i32 to vector<16xi32>
        %select_n3A_452 = arith.select %eq3A_447, %broadcast_in_dim3A_450, %broadcast_in_dim3A_451 : vector<16xi1>, vector<16xi32>
        %add3A_453 = arith.addi %get3A_444, %select_n3A_452 : vector<16xi32>
        %add3A_454 = arith.constant 112 : i32
        %add3A_455 = vector.broadcast %add3A_454 : i32 to vector<16xi32>
        %add3A_456 = arith.addi %add3A_455, %iota3A : vector<16xi32>
        %ge3A_457 = vector.broadcast %select_n3A_236 : i32 to vector<16xi32>
        %ge3A_458 = arith.cmpi sge, %add3A_456, %ge3A_457 : vector<16xi32>
        %jit3A_459 = arith.constant 1024 : i32
        %broadcast_in_dim3A_460 = vector.broadcast %jit3A_459 : i32 to vector<16xi32>
        %select_n3A_461 = arith.select %ge3A_458, %add3A_453, %broadcast_in_dim3A_460 : vector<16xi1>, vector<16xi32>
        %swap3A_462 = arith.constant 0 : i32
        %swap3A_463 = arith.index_cast %swap3A_462 : i32 to index
        %swap3A_464 = arith.constant 112 : index
        %swap3A_465 = tpu.vector_load %arg15[%swap3A_463, %swap3A_464] {strides = array<i32>} : memref<1x128xi32, #tpu.memory_space<vmem>>, vector<16xi32>,
        tpu.vector_store %arg15[%swap3A_463, %swap3A_464], %select_n3A_461 {strides = array<i32>} : memref<1x128xi32, #tpu.memory_space<vmem>>, vector<16xi32>,
        tpu.vector_store_idx %arg17[%iota3A, %select_n3A_461], %broadcast_in_dim3A_1 {add = true} : memref<16x1152xf32, #tpu.memory_space<vmem>>[vector<16xi32>, vector<16xi32>], vector<16xf32>,
        %dma_start3A_466 = arith.constant 0 : i32
        %dma_start3A_467 = arith.constant 0 : i32
        %dma_start3A_468 = tpu.memref_slice %arg15[%dma_start3A_466, %dma_start3A_467] : memref<1x128xi32, #tpu.memory_space<vmem>> -> memref<1x128xi32, #tpu.memory_space<vmem>>
        %dma_start3A_469 = tpu.memref_squeeze %dma_start3A_468 : memref<1x128xi32, #tpu.memory_space<vmem>> -> memref<128xi32, #tpu.memory_space<vmem>>
        %dma_start3A_470 = arith.constant 0 : i32
        %dma_start3A_471 = arith.constant 0 : i32
        %dma_start3A_472 = tpu.memref_slice %arg7[%dma_start3A_470, %dma_start3A_471] : memref<1152x128xf32, #tpu.memory_space<vmem_shared>> -> memref<1152x128xf32, #tpu.memory_space<vmem_shared>>
        tpu.enqueue_indirect_dma source(%arg9 : memref<128x128xf32, #tpu.memory_space<vmem>>) target(%dma_start3A_472 : memref<1152x128xf32, #tpu.memory_space<vmem_shared>>) offsets(%dma_start3A_469 : memref<128xi32, #tpu.memory_space<vmem>>) semaphore(%arg24 : memref<!tpu.dma_semaphore, #tpu.memory_space<semaphore_mem>>) {add = true}
        %ge3A_473 = arith.constant 1 : i32
        %ge3A_474 = arith.cmpi sge, %add3A_182, %ge3A_473 : i32
        %convert_element_type3A_475 = arith.extui %ge3A_474 : i1 to i32
        %cond3A_476 = arith.constant 0 : i32
        %cond3A_477 = arith.cmpi ne, %convert_element_type3A_475, %cond3A_476 : i32
        scf.if %cond3A_477 {
          %dma_wait3A_488 = arith.constant 0 : i32
          %dma_wait3A_489 = arith.constant 0 : i32
          %dma_wait3A_490 = tpu.memref_slice %arg14[%dma_wait3A_488, %dma_wait3A_489] : memref<1x128xi32, #tpu.memory_space<vmem>> -> memref<1x128xi32, #tpu.memory_space<vmem>>
          %dma_wait3A_491 = tpu.memref_squeeze %dma_wait3A_490 : memref<1x128xi32, #tpu.memory_space<vmem>> -> memref<128xi32, #tpu.memory_space<vmem>>
          %dma_wait3A_492 = arith.constant 0 : i32
          %dma_wait3A_493 = arith.constant 0 : i32
          %dma_wait3A_494 = tpu.memref_slice %arg7[%dma_wait3A_492, %dma_wait3A_493] : memref<1152x128xf32, #tpu.memory_space<vmem_shared>> -> memref<1152x128xf32, #tpu.memory_space<vmem_shared>>
          tpu.wait_indirect_dma semaphore(%arg23 : memref<!tpu.dma_semaphore, #tpu.memory_space<semaphore_mem>>) src(%arg8 : memref<128x128xf32, #tpu.memory_space<vmem>>) dst(%dma_wait3A_494 : memref<1152x128xf32, #tpu.memory_space<vmem_shared>>)
        } else {
        }
        %ge3A_478 = arith.constant 1 : i32
        %ge3A_479 = arith.cmpi sge, %add3A_182, %ge3A_478 : i32
        %add3A_480 = arith.constant 3 : i32
        %add3A_481 = arith.addi %add3A_182, %add3A_480 : i32
        %sub3A = arith.constant 1 : i32
        %sub3A_482 = arith.subi %add3A_481, %sub3A : i32
        %lt3A_483 = arith.constant 25 : i32
        %lt3A_484 = arith.cmpi slt, %sub3A_482, %lt3A_483 : i32
        %and3A = arith.andi %ge3A_479, %lt3A_484 : i1
        %convert_element_type3A_485 = arith.extui %and3A : i1 to i32
        %cond3A_486 = arith.constant 0 : i32
        %cond3A_487 = arith.cmpi ne, %convert_element_type3A_485, %cond3A_486 : i32
        scf.if %cond3A_487 {
          %add3A_488 = arith.constant 3 : i32
          %add3A_489 = arith.addi %add3A_182, %add3A_488 : i32
          %sub3A_490 = arith.constant 1 : i32
          %sub3A_491 = arith.subi %add3A_489, %sub3A_490 : i32
          %mul3A_492 = arith.constant 32 : i32
          %mul3A_493 = arith.muli %mul3A_492, %sub3A_491 : i32
          %add3A_494 = arith.addi %add3A, %mul3A_493 : i32
          %lt3A_495 = arith.constant 781 : i32
          %lt3A_496 = arith.cmpi slt, %add3A_494, %lt3A_495 : i32
          %mul3A_497 = arith.constant 128 : i32
          %mul3A_498 = arith.muli %add3A_494, %mul3A_497 : i32
          %jit3A_499 = arith.constant 99872 : i32
          %select_n3A_500 = arith.select %lt3A_496, %mul3A_498, %jit3A_499 : i32
          %multiple_of3A_501 = tpu.assume_multiple %select_n3A_500, 8 : i32
          %dma_start3A_502 = arith.constant 0 : i32
          %dma_start3A_503 = arith.constant 0 : i32
          %dma_start3A_504 = tpu.memref_slice %arg11[%dma_start3A_502, %dma_start3A_503] : memref<2x128xi32, #tpu.memory_space<vmem>> -> memref<1x128xi32, #tpu.memory_space<vmem>>
          %dma_start3A_505 = tpu.memref_squeeze %dma_start3A_504 : memref<1x128xi32, #tpu.memory_space<vmem>> -> memref<128xi32, #tpu.memory_space<vmem>>
          %dma_start3A_506 = tpu.memref_slice %arg3[%multiple_of3A_501] : memref<100000xi32, #tpu.memory_space<hbm>> -> memref<128xi32, #tpu.memory_space<hbm>>
          %dma_start3A_507 = arith.constant 0 : i32
          %dma_start3A_508 = tpu.memref_slice %arg11[%dma_start3A_502, %dma_start3A_507] : memref<2x128xi32, #tpu.memory_space<vmem>> -> memref<1x128xi32, #tpu.memory_space<vmem>>
          %dma_start3A_509 = tpu.memref_squeeze %dma_start3A_508 : memref<1x128xi32, #tpu.memory_space<vmem>> -> memref<128xi32, #tpu.memory_space<vmem>>
          %dma_start3A_510 = tpu.memref_slice %arg3[%multiple_of3A_501] : memref<100000xi32, #tpu.memory_space<hbm>> -> memref<128xi32, #tpu.memory_space<hbm>>
          tpu.enqueue_dma source(%dma_start3A_510 : memref<128xi32, #tpu.memory_space<hbm>>) target(%dma_start3A_509 : memref<128xi32, #tpu.memory_space<vmem>>) target_semaphore(%arg20 : memref<!tpu.dma_semaphore, #tpu.memory_space<semaphore_mem>>)
          %dma_start3A_511 = arith.constant 1 : i32
          %dma_start3A_512 = arith.constant 0 : i32
          %dma_start3A_513 = tpu.memref_slice %arg11[%dma_start3A_511, %dma_start3A_512] : memref<2x128xi32, #tpu.memory_space<vmem>> -> memref<1x128xi32, #tpu.memory_space<vmem>>
          %dma_start3A_514 = tpu.memref_squeeze %dma_start3A_513 : memref<1x128xi32, #tpu.memory_space<vmem>> -> memref<128xi32, #tpu.memory_space<vmem>>
          %dma_start3A_515 = tpu.memref_slice %arg4[%multiple_of3A_501] : memref<100000xi32, #tpu.memory_space<hbm>> -> memref<128xi32, #tpu.memory_space<hbm>>
          %dma_start3A_516 = arith.constant 0 : i32
          %dma_start3A_517 = tpu.memref_slice %arg11[%dma_start3A_511, %dma_start3A_516] : memref<2x128xi32, #tpu.memory_space<vmem>> -> memref<1x128xi32, #tpu.memory_space<vmem>>
          %dma_start3A_518 = tpu.memref_squeeze %dma_start3A_517 : memref<1x128xi32, #tpu.memory_space<vmem>> -> memref<128xi32, #tpu.memory_space<vmem>>
          %dma_start3A_519 = tpu.memref_slice %arg4[%multiple_of3A_501] : memref<100000xi32, #tpu.memory_space<hbm>> -> memref<128xi32, #tpu.memory_space<hbm>>
          tpu.enqueue_dma source(%dma_start3A_519 : memref<128xi32, #tpu.memory_space<hbm>>) target(%dma_start3A_518 : memref<128xi32, #tpu.memory_space<vmem>>) target_semaphore(%arg20 : memref<!tpu.dma_semaphore, #tpu.memory_space<semaphore_mem>>)
          %dma_start3A_520 = arith.constant 0 : i32
          %dma_start3A_521 = tpu.memref_slice %arg2[%multiple_of3A_501, %dma_start3A_520] : memref<100000x128xf32, #tpu.memory_space<hbm>> -> memref<128x128xf32, #tpu.memory_space<hbm>>
          %dma_start3A_522 = arith.constant 0 : i32
          %dma_start3A_523 = tpu.memref_slice %arg2[%multiple_of3A_501, %dma_start3A_522] : memref<100000x128xf32, #tpu.memory_space<hbm>> -> memref<128x128xf32, #tpu.memory_space<hbm>>
          tpu.enqueue_dma source(%dma_start3A_523 : memref<128x128xf32, #tpu.memory_space<hbm>>) target(%arg8 : memref<128x128xf32, #tpu.memory_space<vmem>>) target_semaphore(%arg20 : memref<!tpu.dma_semaphore, #tpu.memory_space<semaphore_mem>>)
        } else {
        }
      } else {
      }
      %mul3A_188 = arith.constant 3 : i32
      %mul3A_189 = arith.muli %mul3A_188, %scan3A_170 : i32
      %add3A_190 = arith.constant 2 : i32
      %add3A_191 = arith.addi %mul3A_189, %add3A_190 : i32
      %lt3A_192 = arith.constant 25 : i32
      %lt3A_193 = arith.cmpi slt, %add3A_191, %lt3A_192 : i32
      %convert_element_type3A_194 = arith.extui %lt3A_193 : i1 to i32
      %cond3A_195 = arith.constant 0 : i32
      %cond3A_196 = arith.cmpi ne, %convert_element_type3A_194, %cond3A_195 : i32
      scf.if %cond3A_196 {
        %dma_wait3A_198 = arith.constant 0 : i32
        %dma_wait3A_199 = arith.constant 0 : i32
        %dma_wait3A_200 = tpu.memref_slice %arg13[%dma_wait3A_198, %dma_wait3A_199] : memref<2x128xi32, #tpu.memory_space<vmem>> -> memref<1x128xi32, #tpu.memory_space<vmem>>
        %dma_wait3A_201 = tpu.memref_squeeze %dma_wait3A_200 : memref<1x128xi32, #tpu.memory_space<vmem>> -> memref<128xi32, #tpu.memory_space<vmem>>
        %dma_wait3A_202 = arith.constant 0 : i32
        %dma_wait3A_203 = tpu.memref_slice %arg3[%dma_wait3A_202] : memref<100000xi32, #tpu.memory_space<hbm>> -> memref<128xi32, #tpu.memory_space<hbm>>
        %dma_wait3A_204 = arith.constant 0 : i32
        %dma_wait3A_205 = tpu.memref_slice %arg13[%dma_wait3A_198, %dma_wait3A_204] : memref<2x128xi32, #tpu.memory_space<vmem>> -> memref<1x128xi32, #tpu.memory_space<vmem>>
        %dma_wait3A_206 = tpu.memref_squeeze %dma_wait3A_205 : memref<1x128xi32, #tpu.memory_space<vmem>> -> memref<128xi32, #tpu.memory_space<vmem>>
        %dma_wait3A_207 = arith.constant 0 : i32
        %dma_wait3A_208 = tpu.memref_slice %arg3[%dma_wait3A_207] : memref<100000xi32, #tpu.memory_space<hbm>> -> memref<128xi32, #tpu.memory_space<hbm>>
        tpu.wait_dma2 semaphore(%arg22 : memref<!tpu.dma_semaphore, #tpu.memory_space<semaphore_mem>>) src(%dma_wait3A_208 : memref<128xi32, #tpu.memory_space<hbm>>) dst(%dma_wait3A_206 : memref<128xi32, #tpu.memory_space<vmem>>)
        %dma_wait3A_209 = arith.constant 1 : i32
        %dma_wait3A_210 = arith.constant 0 : i32
        %dma_wait3A_211 = tpu.memref_slice %arg13[%dma_wait3A_209, %dma_wait3A_210] : memref<2x128xi32, #tpu.memory_space<vmem>> -> memref<1x128xi32, #tpu.memory_space<vmem>>
        %dma_wait3A_212 = tpu.memref_squeeze %dma_wait3A_211 : memref<1x128xi32, #tpu.memory_space<vmem>> -> memref<128xi32, #tpu.memory_space<vmem>>
        %dma_wait3A_213 = arith.constant 0 : i32
        %dma_wait3A_214 = tpu.memref_slice %arg4[%dma_wait3A_213] : memref<100000xi32, #tpu.memory_space<hbm>> -> memref<128xi32, #tpu.memory_space<hbm>>
        %dma_wait3A_215 = arith.constant 0 : i32
        %dma_wait3A_216 = tpu.memref_slice %arg13[%dma_wait3A_209, %dma_wait3A_215] : memref<2x128xi32, #tpu.memory_space<vmem>> -> memref<1x128xi32, #tpu.memory_space<vmem>>
        %dma_wait3A_217 = tpu.memref_squeeze %dma_wait3A_216 : memref<1x128xi32, #tpu.memory_space<vmem>> -> memref<128xi32, #tpu.memory_space<vmem>>
        %dma_wait3A_218 = arith.constant 0 : i32
        %dma_wait3A_219 = tpu.memref_slice %arg4[%dma_wait3A_218] : memref<100000xi32, #tpu.memory_space<hbm>> -> memref<128xi32, #tpu.memory_space<hbm>>
        tpu.wait_dma2 semaphore(%arg22 : memref<!tpu.dma_semaphore, #tpu.memory_space<semaphore_mem>>) src(%dma_wait3A_219 : memref<128xi32, #tpu.memory_space<hbm>>) dst(%dma_wait3A_217 : memref<128xi32, #tpu.memory_space<vmem>>)
        %dma_wait3A_220 = arith.constant 0 : i32
        %dma_wait3A_221 = arith.constant 0 : i32
        %dma_wait3A_222 = tpu.memref_slice %arg2[%dma_wait3A_220, %dma_wait3A_221] : memref<100000x128xf32, #tpu.memory_space<hbm>> -> memref<128x128xf32, #tpu.memory_space<hbm>>
        %dma_wait3A_223 = arith.constant 0 : i32
        %dma_wait3A_224 = arith.constant 0 : i32
        %dma_wait3A_225 = tpu.memref_slice %arg2[%dma_wait3A_223, %dma_wait3A_224] : memref<100000x128xf32, #tpu.memory_space<hbm>> -> memref<128x128xf32, #tpu.memory_space<hbm>>
        tpu.wait_dma2 semaphore(%arg22 : memref<!tpu.dma_semaphore, #tpu.memory_space<semaphore_mem>>) src(%dma_wait3A_225 : memref<128x128xf32, #tpu.memory_space<hbm>>) dst(%arg10 : memref<128x128xf32, #tpu.memory_space<vmem>>)
        %mul3A_226 = arith.constant 32 : i32
        %mul3A_227 = arith.muli %mul3A_226, %add3A_191 : i32
        %add3A_228 = arith.addi %add3A, %mul3A_227 : i32
        %lt3A_229 = arith.constant 781 : i32
        %lt3A_230 = arith.cmpi slt, %add3A_228, %lt3A_229 : i32
        %eq3A = arith.constant 781 : i32
        %eq3A_231 = arith.cmpi eq, %add3A_228, %eq3A : i32
        %jit3A_232 = arith.constant 96 : i32
        %jit3A_233 = arith.constant 128 : i32
        %select_n3A_234 = arith.select %eq3A_231, %jit3A_232, %jit3A_233 : i32
        %jit3A_235 = arith.constant 0 : i32
        %select_n3A_236 = arith.select %lt3A_230, %jit3A_235, %select_n3A_234 : i32
        %get3A = arith.constant 0 : i32
        %get3A_237 = arith.index_cast %get3A : i32 to index
        %get3A_238 = arith.constant 0 : index
        %get3A_239 = tpu.vector_load %arg13[%get3A_237, %get3A_238] {strides = array<i32>} : memref<2x128xi32, #tpu.memory_space<vmem>>, vector<16xi32>,
        %get3A_240 = arith.constant 1 : i32
        %get3A_241 = arith.index_cast %get3A_240 : i32 to index
        %get3A_242 = arith.constant 0 : index
        %get3A_243 = tpu.vector_load %arg13[%get3A_241, %get3A_242] {strides = array<i32>} : memref<2x128xi32, #tpu.memory_space<vmem>>, vector<16xi32>,
        %eq3A_244 = arith.constant 100 : i32
        %eq3A_245 = vector.broadcast %eq3A_244 : i32 to vector<16xi32>
        %eq3A_246 = arith.cmpi eq, %get3A_239, %eq3A_245 : vector<16xi32>
        %jit3A_247 = arith.constant 512 : i32
        %jit3A_248 = arith.constant 0 : i32
        %broadcast_in_dim3A_249 = vector.broadcast %jit3A_247 : i32 to vector<16xi32>
        %broadcast_in_dim3A_250 = vector.broadcast %jit3A_248 : i32 to vector<16xi32>
        %select_n3A_251 = arith.select %eq3A_246, %broadcast_in_dim3A_249, %broadcast_in_dim3A_250 : vector<16xi1>, vector<16xi32>
        %add3A_252 = arith.addi %get3A_243, %select_n3A_251 : vector<16xi32>
        %add3A_253 = arith.constant 0 : i32
        %add3A_254 = vector.broadcast %add3A_253 : i32 to vector<16xi32>
        %add3A_255 = arith.addi %add3A_254, %iota3A : vector<16xi32>
        %ge3A = vector.broadcast %select_n3A_236 : i32 to vector<16xi32>
        %ge3A_256 = arith.cmpi sge, %add3A_255, %ge3A : vector<16xi32>
        %jit3A_257 = arith.constant 1024 : i32
        %broadcast_in_dim3A_258 = vector.broadcast %jit3A_257 : i32 to vector<16xi32>
        %select_n3A_259 = arith.select %ge3A_256, %add3A_252, %broadcast_in_dim3A_258 : vector<16xi1>, vector<16xi32>
        %swap3A = arith.constant 0 : i32
        %swap3A_260 = arith.index_cast %swap3A : i32 to index
        %swap3A_261 = arith.constant 0 : index
        %swap3A_262 = tpu.vector_load %arg16[%swap3A_260, %swap3A_261] {strides = array<i32>} : memref<1x128xi32, #tpu.memory_space<vmem>>, vector<16xi32>,
        tpu.vector_store %arg16[%swap3A_260, %swap3A_261], %select_n3A_259 {strides = array<i32>} : memref<1x128xi32, #tpu.memory_space<vmem>>, vector<16xi32>,
        tpu.vector_store_idx %arg17[%iota3A, %select_n3A_259], %broadcast_in_dim3A_1 {add = true} : memref<16x1152xf32, #tpu.memory_space<vmem>>[vector<16xi32>, vector<16xi32>], vector<16xf32>,
        %get3A_263 = arith.constant 0 : i32
        %get3A_264 = arith.index_cast %get3A_263 : i32 to index
        %get3A_265 = arith.constant 16 : index
        %get3A_266 = tpu.vector_load %arg13[%get3A_264, %get3A_265] {strides = array<i32>} : memref<2x128xi32, #tpu.memory_space<vmem>>, vector<16xi32>,
        %get3A_267 = arith.constant 1 : i32
        %get3A_268 = arith.index_cast %get3A_267 : i32 to index
        %get3A_269 = arith.constant 16 : index
        %get3A_270 = tpu.vector_load %arg13[%get3A_268, %get3A_269] {strides = array<i32>} : memref<2x128xi32, #tpu.memory_space<vmem>>, vector<16xi32>,
        %eq3A_271 = arith.constant 100 : i32
        %eq3A_272 = vector.broadcast %eq3A_271 : i32 to vector<16xi32>
        %eq3A_273 = arith.cmpi eq, %get3A_266, %eq3A_272 : vector<16xi32>
        %jit3A_274 = arith.constant 512 : i32
        %jit3A_275 = arith.constant 0 : i32
        %broadcast_in_dim3A_276 = vector.broadcast %jit3A_274 : i32 to vector<16xi32>
        %broadcast_in_dim3A_277 = vector.broadcast %jit3A_275 : i32 to vector<16xi32>
        %select_n3A_278 = arith.select %eq3A_273, %broadcast_in_dim3A_276, %broadcast_in_dim3A_277 : vector<16xi1>, vector<16xi32>
        %add3A_279 = arith.addi %get3A_270, %select_n3A_278 : vector<16xi32>
        %add3A_280 = arith.constant 16 : i32
        %add3A_281 = vector.broadcast %add3A_280 : i32 to vector<16xi32>
        %add3A_282 = arith.addi %add3A_281, %iota3A : vector<16xi32>
        %ge3A_283 = vector.broadcast %select_n3A_236 : i32 to vector<16xi32>
        %ge3A_284 = arith.cmpi sge, %add3A_282, %ge3A_283 : vector<16xi32>
        %jit3A_285 = arith.constant 1024 : i32
        %broadcast_in_dim3A_286 = vector.broadcast %jit3A_285 : i32 to vector<16xi32>
        %select_n3A_287 = arith.select %ge3A_284, %add3A_279, %broadcast_in_dim3A_286 : vector<16xi1>, vector<16xi32>
        %swap3A_288 = arith.constant 0 : i32
        %swap3A_289 = arith.index_cast %swap3A_288 : i32 to index
        %swap3A_290 = arith.constant 16 : index
        %swap3A_291 = tpu.vector_load %arg16[%swap3A_289, %swap3A_290] {strides = array<i32>} : memref<1x128xi32, #tpu.memory_space<vmem>>, vector<16xi32>,
        tpu.vector_store %arg16[%swap3A_289, %swap3A_290], %select_n3A_287 {strides = array<i32>} : memref<1x128xi32, #tpu.memory_space<vmem>>, vector<16xi32>,
        tpu.vector_store_idx %arg17[%iota3A, %select_n3A_287], %broadcast_in_dim3A_1 {add = true} : memref<16x1152xf32, #tpu.memory_space<vmem>>[vector<16xi32>, vector<16xi32>], vector<16xf32>,
        %get3A_292 = arith.constant 0 : i32
        %get3A_293 = arith.index_cast %get3A_292 : i32 to index
        %get3A_294 = arith.constant 32 : index
        %get3A_295 = tpu.vector_load %arg13[%get3A_293, %get3A_294] {strides = array<i32>} : memref<2x128xi32, #tpu.memory_space<vmem>>, vector<16xi32>,
        %get3A_296 = arith.constant 1 : i32
        %get3A_297 = arith.index_cast %get3A_296 : i32 to index
        %get3A_298 = arith.constant 32 : index
        %get3A_299 = tpu.vector_load %arg13[%get3A_297, %get3A_298] {strides = array<i32>} : memref<2x128xi32, #tpu.memory_space<vmem>>, vector<16xi32>,
        %eq3A_300 = arith.constant 100 : i32
        %eq3A_301 = vector.broadcast %eq3A_300 : i32 to vector<16xi32>
        %eq3A_302 = arith.cmpi eq, %get3A_295, %eq3A_301 : vector<16xi32>
        %jit3A_303 = arith.constant 512 : i32
        %jit3A_304 = arith.constant 0 : i32
        %broadcast_in_dim3A_305 = vector.broadcast %jit3A_303 : i32 to vector<16xi32>
        %broadcast_in_dim3A_306 = vector.broadcast %jit3A_304 : i32 to vector<16xi32>
        %select_n3A_307 = arith.select %eq3A_302, %broadcast_in_dim3A_305, %broadcast_in_dim3A_306 : vector<16xi1>, vector<16xi32>
        %add3A_308 = arith.addi %get3A_299, %select_n3A_307 : vector<16xi32>
        %add3A_309 = arith.constant 32 : i32
        %add3A_310 = vector.broadcast %add3A_309 : i32 to vector<16xi32>
        %add3A_311 = arith.addi %add3A_310, %iota3A : vector<16xi32>
        %ge3A_312 = vector.broadcast %select_n3A_236 : i32 to vector<16xi32>
        %ge3A_313 = arith.cmpi sge, %add3A_311, %ge3A_312 : vector<16xi32>
        %jit3A_314 = arith.constant 1024 : i32
        %broadcast_in_dim3A_315 = vector.broadcast %jit3A_314 : i32 to vector<16xi32>
        %select_n3A_316 = arith.select %ge3A_313, %add3A_308, %broadcast_in_dim3A_315 : vector<16xi1>, vector<16xi32>
        %swap3A_317 = arith.constant 0 : i32
        %swap3A_318 = arith.index_cast %swap3A_317 : i32 to index
        %swap3A_319 = arith.constant 32 : index
        %swap3A_320 = tpu.vector_load %arg16[%swap3A_318, %swap3A_319] {strides = array<i32>} : memref<1x128xi32, #tpu.memory_space<vmem>>, vector<16xi32>,
        tpu.vector_store %arg16[%swap3A_318, %swap3A_319], %select_n3A_316 {strides = array<i32>} : memref<1x128xi32, #tpu.memory_space<vmem>>, vector<16xi32>,
        tpu.vector_store_idx %arg17[%iota3A, %select_n3A_316], %broadcast_in_dim3A_1 {add = true} : memref<16x1152xf32, #tpu.memory_space<vmem>>[vector<16xi32>, vector<16xi32>], vector<16xf32>,
        %get3A_321 = arith.constant 0 : i32
        %get3A_322 = arith.index_cast %get3A_321 : i32 to index
        %get3A_323 = arith.constant 48 : index
        %get3A_324 = tpu.vector_load %arg13[%get3A_322, %get3A_323] {strides = array<i32>} : memref<2x128xi32, #tpu.memory_space<vmem>>, vector<16xi32>,
        %get3A_325 = arith.constant 1 : i32
        %get3A_326 = arith.index_cast %get3A_325 : i32 to index
        %get3A_327 = arith.constant 48 : index
        %get3A_328 = tpu.vector_load %arg13[%get3A_326, %get3A_327] {strides = array<i32>} : memref<2x128xi32, #tpu.memory_space<vmem>>, vector<16xi32>,
        %eq3A_329 = arith.constant 100 : i32
        %eq3A_330 = vector.broadcast %eq3A_329 : i32 to vector<16xi32>
        %eq3A_331 = arith.cmpi eq, %get3A_324, %eq3A_330 : vector<16xi32>
        %jit3A_332 = arith.constant 512 : i32
        %jit3A_333 = arith.constant 0 : i32
        %broadcast_in_dim3A_334 = vector.broadcast %jit3A_332 : i32 to vector<16xi32>
        %broadcast_in_dim3A_335 = vector.broadcast %jit3A_333 : i32 to vector<16xi32>
        %select_n3A_336 = arith.select %eq3A_331, %broadcast_in_dim3A_334, %broadcast_in_dim3A_335 : vector<16xi1>, vector<16xi32>
        %add3A_337 = arith.addi %get3A_328, %select_n3A_336 : vector<16xi32>
        %add3A_338 = arith.constant 48 : i32
        %add3A_339 = vector.broadcast %add3A_338 : i32 to vector<16xi32>
        %add3A_340 = arith.addi %add3A_339, %iota3A : vector<16xi32>
        %ge3A_341 = vector.broadcast %select_n3A_236 : i32 to vector<16xi32>
        %ge3A_342 = arith.cmpi sge, %add3A_340, %ge3A_341 : vector<16xi32>
        %jit3A_343 = arith.constant 1024 : i32
        %broadcast_in_dim3A_344 = vector.broadcast %jit3A_343 : i32 to vector<16xi32>
        %select_n3A_345 = arith.select %ge3A_342, %add3A_337, %broadcast_in_dim3A_344 : vector<16xi1>, vector<16xi32>
        %swap3A_346 = arith.constant 0 : i32
        %swap3A_347 = arith.index_cast %swap3A_346 : i32 to index
        %swap3A_348 = arith.constant 48 : index
        %swap3A_349 = tpu.vector_load %arg16[%swap3A_347, %swap3A_348] {strides = array<i32>} : memref<1x128xi32, #tpu.memory_space<vmem>>, vector<16xi32>,
        tpu.vector_store %arg16[%swap3A_347, %swap3A_348], %select_n3A_345 {strides = array<i32>} : memref<1x128xi32, #tpu.memory_space<vmem>>, vector<16xi32>,
        tpu.vector_store_idx %arg17[%iota3A, %select_n3A_345], %broadcast_in_dim3A_1 {add = true} : memref<16x1152xf32, #tpu.memory_space<vmem>>[vector<16xi32>, vector<16xi32>], vector<16xf32>,
        %get3A_350 = arith.constant 0 : i32
        %get3A_351 = arith.index_cast %get3A_350 : i32 to index
        %get3A_352 = arith.constant 64 : index
        %get3A_353 = tpu.vector_load %arg13[%get3A_351, %get3A_352] {strides = array<i32>} : memref<2x128xi32, #tpu.memory_space<vmem>>, vector<16xi32>,
        %get3A_354 = arith.constant 1 : i32
        %get3A_355 = arith.index_cast %get3A_354 : i32 to index
        %get3A_356 = arith.constant 64 : index
        %get3A_357 = tpu.vector_load %arg13[%get3A_355, %get3A_356] {strides = array<i32>} : memref<2x128xi32, #tpu.memory_space<vmem>>, vector<16xi32>,
        %eq3A_358 = arith.constant 100 : i32
        %eq3A_359 = vector.broadcast %eq3A_358 : i32 to vector<16xi32>
        %eq3A_360 = arith.cmpi eq, %get3A_353, %eq3A_359 : vector<16xi32>
        %jit3A_361 = arith.constant 512 : i32
        %jit3A_362 = arith.constant 0 : i32
        %broadcast_in_dim3A_363 = vector.broadcast %jit3A_361 : i32 to vector<16xi32>
        %broadcast_in_dim3A_364 = vector.broadcast %jit3A_362 : i32 to vector<16xi32>
        %select_n3A_365 = arith.select %eq3A_360, %broadcast_in_dim3A_363, %broadcast_in_dim3A_364 : vector<16xi1>, vector<16xi32>
        %add3A_366 = arith.addi %get3A_357, %select_n3A_365 : vector<16xi32>
        %add3A_367 = arith.constant 64 : i32
        %add3A_368 = vector.broadcast %add3A_367 : i32 to vector<16xi32>
        %add3A_369 = arith.addi %add3A_368, %iota3A : vector<16xi32>
        %ge3A_370 = vector.broadcast %select_n3A_236 : i32 to vector<16xi32>
        %ge3A_371 = arith.cmpi sge, %add3A_369, %ge3A_370 : vector<16xi32>
        %jit3A_372 = arith.constant 1024 : i32
        %broadcast_in_dim3A_373 = vector.broadcast %jit3A_372 : i32 to vector<16xi32>
        %select_n3A_374 = arith.select %ge3A_371, %add3A_366, %broadcast_in_dim3A_373 : vector<16xi1>, vector<16xi32>
        %swap3A_375 = arith.constant 0 : i32
        %swap3A_376 = arith.index_cast %swap3A_375 : i32 to index
        %swap3A_377 = arith.constant 64 : index
        %swap3A_378 = tpu.vector_load %arg16[%swap3A_376, %swap3A_377] {strides = array<i32>} : memref<1x128xi32, #tpu.memory_space<vmem>>, vector<16xi32>,
        tpu.vector_store %arg16[%swap3A_376, %swap3A_377], %select_n3A_374 {strides = array<i32>} : memref<1x128xi32, #tpu.memory_space<vmem>>, vector<16xi32>,
        tpu.vector_store_idx %arg17[%iota3A, %select_n3A_374], %broadcast_in_dim3A_1 {add = true} : memref<16x1152xf32, #tpu.memory_space<vmem>>[vector<16xi32>, vector<16xi32>], vector<16xf32>,
        %get3A_379 = arith.constant 0 : i32
        %get3A_380 = arith.index_cast %get3A_379 : i32 to index
        %get3A_381 = arith.constant 80 : index
        %get3A_382 = tpu.vector_load %arg13[%get3A_380, %get3A_381] {strides = array<i32>} : memref<2x128xi32, #tpu.memory_space<vmem>>, vector<16xi32>,
        %get3A_383 = arith.constant 1 : i32
        %get3A_384 = arith.index_cast %get3A_383 : i32 to index
        %get3A_385 = arith.constant 80 : index
        %get3A_386 = tpu.vector_load %arg13[%get3A_384, %get3A_385] {strides = array<i32>} : memref<2x128xi32, #tpu.memory_space<vmem>>, vector<16xi32>,
        %eq3A_387 = arith.constant 100 : i32
        %eq3A_388 = vector.broadcast %eq3A_387 : i32 to vector<16xi32>
        %eq3A_389 = arith.cmpi eq, %get3A_382, %eq3A_388 : vector<16xi32>
        %jit3A_390 = arith.constant 512 : i32
        %jit3A_391 = arith.constant 0 : i32
        %broadcast_in_dim3A_392 = vector.broadcast %jit3A_390 : i32 to vector<16xi32>
        %broadcast_in_dim3A_393 = vector.broadcast %jit3A_391 : i32 to vector<16xi32>
        %select_n3A_394 = arith.select %eq3A_389, %broadcast_in_dim3A_392, %broadcast_in_dim3A_393 : vector<16xi1>, vector<16xi32>
        %add3A_395 = arith.addi %get3A_386, %select_n3A_394 : vector<16xi32>
        %add3A_396 = arith.constant 80 : i32
        %add3A_397 = vector.broadcast %add3A_396 : i32 to vector<16xi32>
        %add3A_398 = arith.addi %add3A_397, %iota3A : vector<16xi32>
        %ge3A_399 = vector.broadcast %select_n3A_236 : i32 to vector<16xi32>
        %ge3A_400 = arith.cmpi sge, %add3A_398, %ge3A_399 : vector<16xi32>
        %jit3A_401 = arith.constant 1024 : i32
        %broadcast_in_dim3A_402 = vector.broadcast %jit3A_401 : i32 to vector<16xi32>
        %select_n3A_403 = arith.select %ge3A_400, %add3A_395, %broadcast_in_dim3A_402 : vector<16xi1>, vector<16xi32>
        %swap3A_404 = arith.constant 0 : i32
        %swap3A_405 = arith.index_cast %swap3A_404 : i32 to index
        %swap3A_406 = arith.constant 80 : index
        %swap3A_407 = tpu.vector_load %arg16[%swap3A_405, %swap3A_406] {strides = array<i32>} : memref<1x128xi32, #tpu.memory_space<vmem>>, vector<16xi32>,
        tpu.vector_store %arg16[%swap3A_405, %swap3A_406], %select_n3A_403 {strides = array<i32>} : memref<1x128xi32, #tpu.memory_space<vmem>>, vector<16xi32>,
        tpu.vector_store_idx %arg17[%iota3A, %select_n3A_403], %broadcast_in_dim3A_1 {add = true} : memref<16x1152xf32, #tpu.memory_space<vmem>>[vector<16xi32>, vector<16xi32>], vector<16xf32>,
        %get3A_408 = arith.constant 0 : i32
        %get3A_409 = arith.index_cast %get3A_408 : i32 to index
        %get3A_410 = arith.constant 96 : index
        %get3A_411 = tpu.vector_load %arg13[%get3A_409, %get3A_410] {strides = array<i32>} : memref<2x128xi32, #tpu.memory_space<vmem>>, vector<16xi32>,
        %get3A_412 = arith.constant 1 : i32
        %get3A_413 = arith.index_cast %get3A_412 : i32 to index
        %get3A_414 = arith.constant 96 : index
        %get3A_415 = tpu.vector_load %arg13[%get3A_413, %get3A_414] {strides = array<i32>} : memref<2x128xi32, #tpu.memory_space<vmem>>, vector<16xi32>,
        %eq3A_416 = arith.constant 100 : i32
        %eq3A_417 = vector.broadcast %eq3A_416 : i32 to vector<16xi32>
        %eq3A_418 = arith.cmpi eq, %get3A_411, %eq3A_417 : vector<16xi32>
        %jit3A_419 = arith.constant 512 : i32
        %jit3A_420 = arith.constant 0 : i32
        %broadcast_in_dim3A_421 = vector.broadcast %jit3A_419 : i32 to vector<16xi32>
        %broadcast_in_dim3A_422 = vector.broadcast %jit3A_420 : i32 to vector<16xi32>
        %select_n3A_423 = arith.select %eq3A_418, %broadcast_in_dim3A_421, %broadcast_in_dim3A_422 : vector<16xi1>, vector<16xi32>
        %add3A_424 = arith.addi %get3A_415, %select_n3A_423 : vector<16xi32>
        %add3A_425 = arith.constant 96 : i32
        %add3A_426 = vector.broadcast %add3A_425 : i32 to vector<16xi32>
        %add3A_427 = arith.addi %add3A_426, %iota3A : vector<16xi32>
        %ge3A_428 = vector.broadcast %select_n3A_236 : i32 to vector<16xi32>
        %ge3A_429 = arith.cmpi sge, %add3A_427, %ge3A_428 : vector<16xi32>
        %jit3A_430 = arith.constant 1024 : i32
        %broadcast_in_dim3A_431 = vector.broadcast %jit3A_430 : i32 to vector<16xi32>
        %select_n3A_432 = arith.select %ge3A_429, %add3A_424, %broadcast_in_dim3A_431 : vector<16xi1>, vector<16xi32>
        %swap3A_433 = arith.constant 0 : i32
        %swap3A_434 = arith.index_cast %swap3A_433 : i32 to index
        %swap3A_435 = arith.constant 96 : index
        %swap3A_436 = tpu.vector_load %arg16[%swap3A_434, %swap3A_435] {strides = array<i32>} : memref<1x128xi32, #tpu.memory_space<vmem>>, vector<16xi32>,
        tpu.vector_store %arg16[%swap3A_434, %swap3A_435], %select_n3A_432 {strides = array<i32>} : memref<1x128xi32, #tpu.memory_space<vmem>>, vector<16xi32>,
        tpu.vector_store_idx %arg17[%iota3A, %select_n3A_432], %broadcast_in_dim3A_1 {add = true} : memref<16x1152xf32, #tpu.memory_space<vmem>>[vector<16xi32>, vector<16xi32>], vector<16xf32>,
        %get3A_437 = arith.constant 0 : i32
        %get3A_438 = arith.index_cast %get3A_437 : i32 to index
        %get3A_439 = arith.constant 112 : index
        %get3A_440 = tpu.vector_load %arg13[%get3A_438, %get3A_439] {strides = array<i32>} : memref<2x128xi32, #tpu.memory_space<vmem>>, vector<16xi32>,
        %get3A_441 = arith.constant 1 : i32
        %get3A_442 = arith.index_cast %get3A_441 : i32 to index
        %get3A_443 = arith.constant 112 : index
        %get3A_444 = tpu.vector_load %arg13[%get3A_442, %get3A_443] {strides = array<i32>} : memref<2x128xi32, #tpu.memory_space<vmem>>, vector<16xi32>,
        %eq3A_445 = arith.constant 100 : i32
        %eq3A_446 = vector.broadcast %eq3A_445 : i32 to vector<16xi32>
        %eq3A_447 = arith.cmpi eq, %get3A_440, %eq3A_446 : vector<16xi32>
        %jit3A_448 = arith.constant 512 : i32
        %jit3A_449 = arith.constant 0 : i32
        %broadcast_in_dim3A_450 = vector.broadcast %jit3A_448 : i32 to vector<16xi32>
        %broadcast_in_dim3A_451 = vector.broadcast %jit3A_449 : i32 to vector<16xi32>
        %select_n3A_452 = arith.select %eq3A_447, %broadcast_in_dim3A_450, %broadcast_in_dim3A_451 : vector<16xi1>, vector<16xi32>
        %add3A_453 = arith.addi %get3A_444, %select_n3A_452 : vector<16xi32>
        %add3A_454 = arith.constant 112 : i32
        %add3A_455 = vector.broadcast %add3A_454 : i32 to vector<16xi32>
        %add3A_456 = arith.addi %add3A_455, %iota3A : vector<16xi32>
        %ge3A_457 = vector.broadcast %select_n3A_236 : i32 to vector<16xi32>
        %ge3A_458 = arith.cmpi sge, %add3A_456, %ge3A_457 : vector<16xi32>
        %jit3A_459 = arith.constant 1024 : i32
        %broadcast_in_dim3A_460 = vector.broadcast %jit3A_459 : i32 to vector<16xi32>
        %select_n3A_461 = arith.select %ge3A_458, %add3A_453, %broadcast_in_dim3A_460 : vector<16xi1>, vector<16xi32>
        %swap3A_462 = arith.constant 0 : i32
        %swap3A_463 = arith.index_cast %swap3A_462 : i32 to index
        %swap3A_464 = arith.constant 112 : index
        %swap3A_465 = tpu.vector_load %arg16[%swap3A_463, %swap3A_464] {strides = array<i32>} : memref<1x128xi32, #tpu.memory_space<vmem>>, vector<16xi32>,
        tpu.vector_store %arg16[%swap3A_463, %swap3A_464], %select_n3A_461 {strides = array<i32>} : memref<1x128xi32, #tpu.memory_space<vmem>>, vector<16xi32>,
        tpu.vector_store_idx %arg17[%iota3A, %select_n3A_461], %broadcast_in_dim3A_1 {add = true} : memref<16x1152xf32, #tpu.memory_space<vmem>>[vector<16xi32>, vector<16xi32>], vector<16xf32>,
        %dma_start3A_466 = arith.constant 0 : i32
        %dma_start3A_467 = arith.constant 0 : i32
        %dma_start3A_468 = tpu.memref_slice %arg16[%dma_start3A_466, %dma_start3A_467] : memref<1x128xi32, #tpu.memory_space<vmem>> -> memref<1x128xi32, #tpu.memory_space<vmem>>
        %dma_start3A_469 = tpu.memref_squeeze %dma_start3A_468 : memref<1x128xi32, #tpu.memory_space<vmem>> -> memref<128xi32, #tpu.memory_space<vmem>>
        %dma_start3A_470 = arith.constant 0 : i32
        %dma_start3A_471 = arith.constant 0 : i32
        %dma_start3A_472 = tpu.memref_slice %arg7[%dma_start3A_470, %dma_start3A_471] : memref<1152x128xf32, #tpu.memory_space<vmem_shared>> -> memref<1152x128xf32, #tpu.memory_space<vmem_shared>>
        tpu.enqueue_indirect_dma source(%arg10 : memref<128x128xf32, #tpu.memory_space<vmem>>) target(%dma_start3A_472 : memref<1152x128xf32, #tpu.memory_space<vmem_shared>>) offsets(%dma_start3A_469 : memref<128xi32, #tpu.memory_space<vmem>>) semaphore(%arg25 : memref<!tpu.dma_semaphore, #tpu.memory_space<semaphore_mem>>) {add = true}
        %ge3A_473 = arith.constant 1 : i32
        %ge3A_474 = arith.cmpi sge, %add3A_191, %ge3A_473 : i32
        %convert_element_type3A_475 = arith.extui %ge3A_474 : i1 to i32
        %cond3A_476 = arith.constant 0 : i32
        %cond3A_477 = arith.cmpi ne, %convert_element_type3A_475, %cond3A_476 : i32
        scf.if %cond3A_477 {
          %dma_wait3A_488 = arith.constant 0 : i32
          %dma_wait3A_489 = arith.constant 0 : i32
          %dma_wait3A_490 = tpu.memref_slice %arg15[%dma_wait3A_488, %dma_wait3A_489] : memref<1x128xi32, #tpu.memory_space<vmem>> -> memref<1x128xi32, #tpu.memory_space<vmem>>
          %dma_wait3A_491 = tpu.memref_squeeze %dma_wait3A_490 : memref<1x128xi32, #tpu.memory_space<vmem>> -> memref<128xi32, #tpu.memory_space<vmem>>
          %dma_wait3A_492 = arith.constant 0 : i32
          %dma_wait3A_493 = arith.constant 0 : i32
          %dma_wait3A_494 = tpu.memref_slice %arg7[%dma_wait3A_492, %dma_wait3A_493] : memref<1152x128xf32, #tpu.memory_space<vmem_shared>> -> memref<1152x128xf32, #tpu.memory_space<vmem_shared>>
          tpu.wait_indirect_dma semaphore(%arg24 : memref<!tpu.dma_semaphore, #tpu.memory_space<semaphore_mem>>) src(%arg9 : memref<128x128xf32, #tpu.memory_space<vmem>>) dst(%dma_wait3A_494 : memref<1152x128xf32, #tpu.memory_space<vmem_shared>>)
        } else {
        }
        %ge3A_478 = arith.constant 1 : i32
        %ge3A_479 = arith.cmpi sge, %add3A_191, %ge3A_478 : i32
        %add3A_480 = arith.constant 3 : i32
        %add3A_481 = arith.addi %add3A_191, %add3A_480 : i32
        %sub3A = arith.constant 1 : i32
        %sub3A_482 = arith.subi %add3A_481, %sub3A : i32
        %lt3A_483 = arith.constant 25 : i32
        %lt3A_484 = arith.cmpi slt, %sub3A_482, %lt3A_483 : i32
        %and3A = arith.andi %ge3A_479, %lt3A_484 : i1
        %convert_element_type3A_485 = arith.extui %and3A : i1 to i32
        %cond3A_486 = arith.constant 0 : i32
        %cond3A_487 = arith.cmpi ne, %convert_element_type3A_485, %cond3A_486 : i32
        scf.if %cond3A_487 {
          %add3A_488 = arith.constant 3 : i32
          %add3A_489 = arith.addi %add3A_191, %add3A_488 : i32
          %sub3A_490 = arith.constant 1 : i32
          %sub3A_491 = arith.subi %add3A_489, %sub3A_490 : i32
          %mul3A_492 = arith.constant 32 : i32
          %mul3A_493 = arith.muli %mul3A_492, %sub3A_491 : i32
          %add3A_494 = arith.addi %add3A, %mul3A_493 : i32
          %lt3A_495 = arith.constant 781 : i32
          %lt3A_496 = arith.cmpi slt, %add3A_494, %lt3A_495 : i32
          %mul3A_497 = arith.constant 128 : i32
          %mul3A_498 = arith.muli %add3A_494, %mul3A_497 : i32
          %jit3A_499 = arith.constant 99872 : i32
          %select_n3A_500 = arith.select %lt3A_496, %mul3A_498, %jit3A_499 : i32
          %multiple_of3A_501 = tpu.assume_multiple %select_n3A_500, 8 : i32
          %dma_start3A_502 = arith.constant 0 : i32
          %dma_start3A_503 = arith.constant 0 : i32
          %dma_start3A_504 = tpu.memref_slice %arg12[%dma_start3A_502, %dma_start3A_503] : memref<2x128xi32, #tpu.memory_space<vmem>> -> memref<1x128xi32, #tpu.memory_space<vmem>>
          %dma_start3A_505 = tpu.memref_squeeze %dma_start3A_504 : memref<1x128xi32, #tpu.memory_space<vmem>> -> memref<128xi32, #tpu.memory_space<vmem>>
          %dma_start3A_506 = tpu.memref_slice %arg3[%multiple_of3A_501] : memref<100000xi32, #tpu.memory_space<hbm>> -> memref<128xi32, #tpu.memory_space<hbm>>
          %dma_start3A_507 = arith.constant 0 : i32
          %dma_start3A_508 = tpu.memref_slice %arg12[%dma_start3A_502, %dma_start3A_507] : memref<2x128xi32, #tpu.memory_space<vmem>> -> memref<1x128xi32, #tpu.memory_space<vmem>>
          %dma_start3A_509 = tpu.memref_squeeze %dma_start3A_508 : memref<1x128xi32, #tpu.memory_space<vmem>> -> memref<128xi32, #tpu.memory_space<vmem>>
          %dma_start3A_510 = tpu.memref_slice %arg3[%multiple_of3A_501] : memref<100000xi32, #tpu.memory_space<hbm>> -> memref<128xi32, #tpu.memory_space<hbm>>
          tpu.enqueue_dma source(%dma_start3A_510 : memref<128xi32, #tpu.memory_space<hbm>>) target(%dma_start3A_509 : memref<128xi32, #tpu.memory_space<vmem>>) target_semaphore(%arg21 : memref<!tpu.dma_semaphore, #tpu.memory_space<semaphore_mem>>)
          %dma_start3A_511 = arith.constant 1 : i32
          %dma_start3A_512 = arith.constant 0 : i32
          %dma_start3A_513 = tpu.memref_slice %arg12[%dma_start3A_511, %dma_start3A_512] : memref<2x128xi32, #tpu.memory_space<vmem>> -> memref<1x128xi32, #tpu.memory_space<vmem>>
          %dma_start3A_514 = tpu.memref_squeeze %dma_start3A_513 : memref<1x128xi32, #tpu.memory_space<vmem>> -> memref<128xi32, #tpu.memory_space<vmem>>
          %dma_start3A_515 = tpu.memref_slice %arg4[%multiple_of3A_501] : memref<100000xi32, #tpu.memory_space<hbm>> -> memref<128xi32, #tpu.memory_space<hbm>>
          %dma_start3A_516 = arith.constant 0 : i32
          %dma_start3A_517 = tpu.memref_slice %arg12[%dma_start3A_511, %dma_start3A_516] : memref<2x128xi32, #tpu.memory_space<vmem>> -> memref<1x128xi32, #tpu.memory_space<vmem>>
          %dma_start3A_518 = tpu.memref_squeeze %dma_start3A_517 : memref<1x128xi32, #tpu.memory_space<vmem>> -> memref<128xi32, #tpu.memory_space<vmem>>
          %dma_start3A_519 = tpu.memref_slice %arg4[%multiple_of3A_501] : memref<100000xi32, #tpu.memory_space<hbm>> -> memref<128xi32, #tpu.memory_space<hbm>>
          tpu.enqueue_dma source(%dma_start3A_519 : memref<128xi32, #tpu.memory_space<hbm>>) target(%dma_start3A_518 : memref<128xi32, #tpu.memory_space<vmem>>) target_semaphore(%arg21 : memref<!tpu.dma_semaphore, #tpu.memory_space<semaphore_mem>>)
          %dma_start3A_520 = arith.constant 0 : i32
          %dma_start3A_521 = tpu.memref_slice %arg2[%multiple_of3A_501, %dma_start3A_520] : memref<100000x128xf32, #tpu.memory_space<hbm>> -> memref<128x128xf32, #tpu.memory_space<hbm>>
          %dma_start3A_522 = arith.constant 0 : i32
          %dma_start3A_523 = tpu.memref_slice %arg2[%multiple_of3A_501, %dma_start3A_522] : memref<100000x128xf32, #tpu.memory_space<hbm>> -> memref<128x128xf32, #tpu.memory_space<hbm>>
          tpu.enqueue_dma source(%dma_start3A_523 : memref<128x128xf32, #tpu.memory_space<hbm>>) target(%arg9 : memref<128x128xf32, #tpu.memory_space<vmem>>) target_semaphore(%arg21 : memref<!tpu.dma_semaphore, #tpu.memory_space<semaphore_mem>>)
        } else {
        }
      } else {
      }
      %scan3A_197 = arith.constant 0 : i32
      scf.yield %scan3A_197 : i32
    }
    %scan3A_150 = arith.constant 9 : i32
    %dma_wait3A_151 = arith.constant 0 : i32
    %dma_wait3A_152 = arith.constant 0 : i32
    %dma_wait3A_153 = tpu.memref_slice %arg14[%dma_wait3A_151, %dma_wait3A_152] : memref<1x128xi32, #tpu.memory_space<vmem>> -> memref<1x128xi32, #tpu.memory_space<vmem>>
    %dma_wait3A_154 = tpu.memref_squeeze %dma_wait3A_153 : memref<1x128xi32, #tpu.memory_space<vmem>> -> memref<128xi32, #tpu.memory_space<vmem>>
    %dma_wait3A_155 = arith.constant 0 : i32
    %dma_wait3A_156 = arith.constant 0 : i32
    %dma_wait3A_157 = tpu.memref_slice %arg7[%dma_wait3A_155, %dma_wait3A_156] : memref<1152x128xf32, #tpu.memory_space<vmem_shared>> -> memref<1152x128xf32, #tpu.memory_space<vmem_shared>>
    tpu.wait_indirect_dma semaphore(%arg23 : memref<!tpu.dma_semaphore, #tpu.memory_space<semaphore_mem>>) src(%arg8 : memref<128x128xf32, #tpu.memory_space<vmem>>) dst(%dma_wait3A_157 : memref<1152x128xf32, #tpu.memory_space<vmem_shared>>)
    %barrier3A_158 = arith.constant 0 : index
    tpu.barrier barrier_id(%barrier3A_158)
    %scan3A_159 = arith.constant 0 : i32
    %scan3A_160 = arith.constant 0 : i32
    %scan3A_161 = arith.constant 72 : i32
    %scan3A_162 = arith.addi %scan3A_160, %scan3A_161 : i32
    %scan3A_163 = arith.constant 1 : i32
    %scan3A_164 = scf.for %scan3A_170 = %scan3A_160 to %scan3A_162 step %scan3A_163 iter_args(%scan3A_171 = %scan3A_159) -> (i32)  : i32 {
      %mul3A_172 = arith.constant 16 : i32
      %mul3A_173 = arith.muli %scan3A_170, %mul3A_172 : i32
      %get3A = arith.constant 0 : i32
      %get3A_174 = arith.index_cast %get3A : i32 to index
      %get3A_175 = arith.index_cast %mul3A_173 : i32 to index
      %get3A_176 = tpu.vector_load %arg17[%get3A_174, %get3A_175] {strides = array<i32>} : memref<16x1152xf32, #tpu.memory_space<vmem>>, vector<16xf32>,
      %mul3A_177 = arith.constant 16 : i32
      %mul3A_178 = arith.muli %scan3A_170, %mul3A_177 : i32
      %get3A_179 = arith.constant 1 : i32
      %get3A_180 = arith.index_cast %get3A_179 : i32 to index
      %get3A_181 = arith.index_cast %mul3A_178 : i32 to index
      %get3A_182 = tpu.vector_load %arg17[%get3A_180, %get3A_181] {strides = array<i32>} : memref<16x1152xf32, #tpu.memory_space<vmem>>, vector<16xf32>,
      %add3A_183 = arith.addf %get3A_176, %get3A_182 : vector<16xf32>
      %mul3A_184 = arith.constant 16 : i32
      %mul3A_185 = arith.muli %scan3A_170, %mul3A_184 : i32
      %get3A_186 = arith.constant 2 : i32
      %get3A_187 = arith.index_cast %get3A_186 : i32 to index
      %get3A_188 = arith.index_cast %mul3A_185 : i32 to index
      %get3A_189 = tpu.vector_load %arg17[%get3A_187, %get3A_188] {strides = array<i32>} : memref<16x1152xf32, #tpu.memory_space<vmem>>, vector<16xf32>,
      %add3A_190 = arith.addf %add3A_183, %get3A_189 : vector<16xf32>
      %mul3A_191 = arith.constant 16 : i32
      %mul3A_192 = arith.muli %scan3A_170, %mul3A_191 : i32
      %get3A_193 = arith.constant 3 : i32
      %get3A_194 = arith.index_cast %get3A_193 : i32 to index
      %get3A_195 = arith.index_cast %mul3A_192 : i32 to index
      %get3A_196 = tpu.vector_load %arg17[%get3A_194, %get3A_195] {strides = array<i32>} : memref<16x1152xf32, #tpu.memory_space<vmem>>, vector<16xf32>,
      %add3A_197 = arith.addf %add3A_190, %get3A_196 : vector<16xf32>
      %mul3A_198 = arith.constant 16 : i32
      %mul3A_199 = arith.muli %scan3A_170, %mul3A_198 : i32
      %get3A_200 = arith.constant 4 : i32
      %get3A_201 = arith.index_cast %get3A_200 : i32 to index
      %get3A_202 = arith.index_cast %mul3A_199 : i32 to index
      %get3A_203 = tpu.vector_load %arg17[%get3A_201, %get3A_202] {strides = array<i32>} : memref<16x1152xf32, #tpu.memory_space<vmem>>, vector<16xf32>,
      %add3A_204 = arith.addf %add3A_197, %get3A_203 : vector<16xf32>
      %mul3A_205 = arith.constant 16 : i32
      %mul3A_206 = arith.muli %scan3A_170, %mul3A_205 : i32
      %get3A_207 = arith.constant 5 : i32
      %get3A_208 = arith.index_cast %get3A_207 : i32 to index
      %get3A_209 = arith.index_cast %mul3A_206 : i32 to index
      %get3A_210 = tpu.vector_load %arg17[%get3A_208, %get3A_209] {strides = array<i32>} : memref<16x1152xf32, #tpu.memory_space<vmem>>, vector<16xf32>,
      %add3A_211 = arith.addf %add3A_204, %get3A_210 : vector<16xf32>
      %mul3A_212 = arith.constant 16 : i32
      %mul3A_213 = arith.muli %scan3A_170, %mul3A_212 : i32
      %get3A_214 = arith.constant 6 : i32
      %get3A_215 = arith.index_cast %get3A_214 : i32 to index
      %get3A_216 = arith.index_cast %mul3A_213 : i32 to index
      %get3A_217 = tpu.vector_load %arg17[%get3A_215, %get3A_216] {strides = array<i32>} : memref<16x1152xf32, #tpu.memory_space<vmem>>, vector<16xf32>,
      %add3A_218 = arith.addf %add3A_211, %get3A_217 : vector<16xf32>
      %mul3A_219 = arith.constant 16 : i32
      %mul3A_220 = arith.muli %scan3A_170, %mul3A_219 : i32
      %get3A_221 = arith.constant 7 : i32
      %get3A_222 = arith.index_cast %get3A_221 : i32 to index
      %get3A_223 = arith.index_cast %mul3A_220 : i32 to index
      %get3A_224 = tpu.vector_load %arg17[%get3A_222, %get3A_223] {strides = array<i32>} : memref<16x1152xf32, #tpu.memory_space<vmem>>, vector<16xf32>,
      %add3A_225 = arith.addf %add3A_218, %get3A_224 : vector<16xf32>
      %mul3A_226 = arith.constant 16 : i32
      %mul3A_227 = arith.muli %scan3A_170, %mul3A_226 : i32
      %get3A_228 = arith.constant 8 : i32
      %get3A_229 = arith.index_cast %get3A_228 : i32 to index
      %get3A_230 = arith.index_cast %mul3A_227 : i32 to index
      %get3A_231 = tpu.vector_load %arg17[%get3A_229, %get3A_230] {strides = array<i32>} : memref<16x1152xf32, #tpu.memory_space<vmem>>, vector<16xf32>,
      %add3A_232 = arith.addf %add3A_225, %get3A_231 : vector<16xf32>
      %mul3A_233 = arith.constant 16 : i32
      %mul3A_234 = arith.muli %scan3A_170, %mul3A_233 : i32
      %get3A_235 = arith.constant 9 : i32
      %get3A_236 = arith.index_cast %get3A_235 : i32 to index
      %get3A_237 = arith.index_cast %mul3A_234 : i32 to index
      %get3A_238 = tpu.vector_load %arg17[%get3A_236, %get3A_237] {strides = array<i32>} : memref<16x1152xf32, #tpu.memory_space<vmem>>, vector<16xf32>,
      %add3A_239 = arith.addf %add3A_232, %get3A_238 : vector<16xf32>
      %mul3A_240 = arith.constant 16 : i32
      %mul3A_241 = arith.muli %scan3A_170, %mul3A_240 : i32
      %get3A_242 = arith.constant 10 : i32
      %get3A_243 = arith.index_cast %get3A_242 : i32 to index
      %get3A_244 = arith.index_cast %mul3A_241 : i32 to index
      %get3A_245 = tpu.vector_load %arg17[%get3A_243, %get3A_244] {strides = array<i32>} : memref<16x1152xf32, #tpu.memory_space<vmem>>, vector<16xf32>,
      %add3A_246 = arith.addf %add3A_239, %get3A_245 : vector<16xf32>
      %mul3A_247 = arith.constant 16 : i32
      %mul3A_248 = arith.muli %scan3A_170, %mul3A_247 : i32
      %get3A_249 = arith.constant 11 : i32
      %get3A_250 = arith.index_cast %get3A_249 : i32 to index
      %get3A_251 = arith.index_cast %mul3A_248 : i32 to index
      %get3A_252 = tpu.vector_load %arg17[%get3A_250, %get3A_251] {strides = array<i32>} : memref<16x1152xf32, #tpu.memory_space<vmem>>, vector<16xf32>,
      %add3A_253 = arith.addf %add3A_246, %get3A_252 : vector<16xf32>
      %mul3A_254 = arith.constant 16 : i32
      %mul3A_255 = arith.muli %scan3A_170, %mul3A_254 : i32
      %get3A_256 = arith.constant 12 : i32
      %get3A_257 = arith.index_cast %get3A_256 : i32 to index
      %get3A_258 = arith.index_cast %mul3A_255 : i32 to index
      %get3A_259 = tpu.vector_load %arg17[%get3A_257, %get3A_258] {strides = array<i32>} : memref<16x1152xf32, #tpu.memory_space<vmem>>, vector<16xf32>,
      %add3A_260 = arith.addf %add3A_253, %get3A_259 : vector<16xf32>
      %mul3A_261 = arith.constant 16 : i32
      %mul3A_262 = arith.muli %scan3A_170, %mul3A_261 : i32
      %get3A_263 = arith.constant 13 : i32
      %get3A_264 = arith.index_cast %get3A_263 : i32 to index
      %get3A_265 = arith.index_cast %mul3A_262 : i32 to index
      %get3A_266 = tpu.vector_load %arg17[%get3A_264, %get3A_265] {strides = array<i32>} : memref<16x1152xf32, #tpu.memory_space<vmem>>, vector<16xf32>,
      %add3A_267 = arith.addf %add3A_260, %get3A_266 : vector<16xf32>
      %mul3A_268 = arith.constant 16 : i32
      %mul3A_269 = arith.muli %scan3A_170, %mul3A_268 : i32
      %get3A_270 = arith.constant 14 : i32
      %get3A_271 = arith.index_cast %get3A_270 : i32 to index
      %get3A_272 = arith.index_cast %mul3A_269 : i32 to index
      %get3A_273 = tpu.vector_load %arg17[%get3A_271, %get3A_272] {strides = array<i32>} : memref<16x1152xf32, #tpu.memory_space<vmem>>, vector<16xf32>,
      %add3A_274 = arith.addf %add3A_267, %get3A_273 : vector<16xf32>
      %mul3A_275 = arith.constant 16 : i32
      %mul3A_276 = arith.muli %scan3A_170, %mul3A_275 : i32
      %get3A_277 = arith.constant 15 : i32
      %get3A_278 = arith.index_cast %get3A_277 : i32 to index
      %get3A_279 = arith.index_cast %mul3A_276 : i32 to index
      %get3A_280 = tpu.vector_load %arg17[%get3A_278, %get3A_279] {strides = array<i32>} : memref<16x1152xf32, #tpu.memory_space<vmem>>, vector<16xf32>,
      %add3A_281 = arith.addf %add3A_274, %get3A_280 : vector<16xf32>
      %mul3A_282 = arith.constant 16 : i32
      %mul3A_283 = arith.muli %scan3A_170, %mul3A_282 : i32
      %swap3A = arith.index_cast %mul3A_283 : i32 to index
      %swap3A_284 = tpu.vector_load %arg18[%swap3A] {strides = array<i32>} : memref<1152xf32, #tpu.memory_space<vmem>>, vector<16xf32>,
      tpu.vector_store %arg18[%swap3A], %add3A_281 {strides = array<i32>} : memref<1152xf32, #tpu.memory_space<vmem>>, vector<16xf32>,
      %scan3A_285 = arith.constant 0 : i32
      scf.yield %scan3A_285 : i32
    }
    %scan3A_165 = arith.constant 72 : i32
    %mul3A_166 = arith.constant 72 : i32
    %mul3A_167 = arith.muli %arg1, %mul3A_166 : i32
    %mul3A_168 = arith.constant 72 : i32
    %mul3A_169 = arith.muli %arg1, %mul3A_168 : i32
    "tpu.region"() ({
      %run_scoped3A = tpu.sem_alloc : memref<!tpu.dma_semaphore, #tpu.memory_space<semaphore_mem>>
      %dma_start3A_170 = arith.constant 0 : i32
      %dma_start3A_171 = tpu.memref_slice %arg5[%arg0, %mul3A_169, %dma_start3A_170] : memref<2x1152x128xf32, #tpu.memory_space<hbm>> -> memref<1x72x128xf32, #tpu.memory_space<hbm>>
      %dma_start3A_172 = tpu.memref_squeeze %dma_start3A_171 : memref<1x72x128xf32, #tpu.memory_space<hbm>> -> memref<72x128xf32, #tpu.memory_space<hbm>>
      %dma_start3A_173 = arith.constant 0 : i32
      %dma_start3A_174 = tpu.memref_slice %arg7[%mul3A_167, %dma_start3A_173] : memref<1152x128xf32, #tpu.memory_space<vmem_shared>> -> memref<72x128xf32, #tpu.memory_space<vmem_shared>>
      tpu.enqueue_dma source(%dma_start3A_174 : memref<72x128xf32, #tpu.memory_space<vmem_shared>>) target(%dma_start3A_172 : memref<72x128xf32, #tpu.memory_space<hbm>>) target_semaphore(%run_scoped3A : memref<!tpu.dma_semaphore, #tpu.memory_space<semaphore_mem>>)
      %dma_wait3A_175 = arith.constant 0 : i32
      %dma_wait3A_176 = tpu.memref_slice %arg5[%arg0, %mul3A_169, %dma_wait3A_175] : memref<2x1152x128xf32, #tpu.memory_space<hbm>> -> memref<1x72x128xf32, #tpu.memory_space<hbm>>
      %dma_wait3A_177 = tpu.memref_squeeze %dma_wait3A_176 : memref<1x72x128xf32, #tpu.memory_space<hbm>> -> memref<72x128xf32, #tpu.memory_space<hbm>>
      %dma_wait3A_178 = arith.constant 0 : i32
      %dma_wait3A_179 = tpu.memref_slice %arg7[%mul3A_167, %dma_wait3A_178] : memref<1152x128xf32, #tpu.memory_space<vmem_shared>> -> memref<72x128xf32, #tpu.memory_space<vmem_shared>>
      tpu.wait_dma2 semaphore(%run_scoped3A : memref<!tpu.dma_semaphore, #tpu.memory_space<semaphore_mem>>) src(%dma_wait3A_179 : memref<72x128xf32, #tpu.memory_space<vmem_shared>>) dst(%dma_wait3A_177 : memref<72x128xf32, #tpu.memory_space<hbm>>)
      tpu.yield
    }) : () -> ()
    "tpu.region"() ({
      %run_scoped3A = tpu.sem_alloc : memref<!tpu.dma_semaphore, #tpu.memory_space<semaphore_mem>>
      %dma_start3A_170 = arith.constant 0 : i32
      %dma_start3A_171 = tpu.memref_slice %arg6[%add3A, %dma_start3A_170] : memref<32x1152xf32, #tpu.memory_space<hbm>> -> memref<1x1152xf32, #tpu.memory_space<hbm>>
      %dma_start3A_172 = tpu.memref_squeeze %dma_start3A_171 : memref<1x1152xf32, #tpu.memory_space<hbm>> -> memref<1152xf32, #tpu.memory_space<hbm>>
      %dma_start3A_173 = arith.constant 0 : i32
      %dma_start3A_174 = tpu.memref_slice %arg6[%add3A, %dma_start3A_173] : memref<32x1152xf32, #tpu.memory_space<hbm>> -> memref<1x1152xf32, #tpu.memory_space<hbm>>
      %dma_start3A_175 = tpu.memref_squeeze %dma_start3A_174 : memref<1x1152xf32, #tpu.memory_space<hbm>> -> memref<1152xf32, #tpu.memory_space<hbm>>
      tpu.enqueue_dma source(%arg18 : memref<1152xf32, #tpu.memory_space<vmem>>) target(%dma_start3A_175 : memref<1152xf32, #tpu.memory_space<hbm>>) target_semaphore(%run_scoped3A : memref<!tpu.dma_semaphore, #tpu.memory_space<semaphore_mem>>)
      %dma_wait3A_176 = arith.constant 0 : i32
      %dma_wait3A_177 = tpu.memref_slice %arg6[%add3A, %dma_wait3A_176] : memref<32x1152xf32, #tpu.memory_space<hbm>> -> memref<1x1152xf32, #tpu.memory_space<hbm>>
      %dma_wait3A_178 = tpu.memref_squeeze %dma_wait3A_177 : memref<1x1152xf32, #tpu.memory_space<hbm>> -> memref<1152xf32, #tpu.memory_space<hbm>>
      %dma_wait3A_179 = arith.constant 0 : i32
      %dma_wait3A_180 = tpu.memref_slice %arg6[%add3A, %dma_wait3A_179] : memref<32x1152xf32, #tpu.memory_space<hbm>> -> memref<1x1152xf32, #tpu.memory_space<hbm>>
      %dma_wait3A_181 = tpu.memref_squeeze %dma_wait3A_180 : memref<1x1152xf32, #tpu.memory_space<hbm>> -> memref<1152xf32, #tpu.memory_space<hbm>>
      tpu.wait_dma2 semaphore(%run_scoped3A : memref<!tpu.dma_semaphore, #tpu.memory_space<semaphore_mem>>) src(%arg18 : memref<1152xf32, #tpu.memory_space<vmem>>) dst(%dma_wait3A_181 : memref<1152xf32, #tpu.memory_space<hbm>>)
      tpu.yield
    }) : () -> ()
    return
  }
}

module attributes {stable_mosaic.version = 14 : i64} {
  func.func @_fin_body(%arg0: memref<2x1152x128xf32, #tpu.memory_space<vmem>>, %arg1: memref<32x1152xf32, #tpu.memory_space<vmem>>, %arg2: memref<512x256xf32, #tpu.memory_space<vmem>>) attributes {dimension_semantics = [], scalar_prefetch = 0 : i64, scratch_operands = 0 : i64, tpu.core_type = #tpu.core_type<tc>} {
    %get3A = arith.constant 0 : index
    %get3A_0 = arith.constant 0 : index
    %get3A_1 = arith.constant 0 : index
    %get3A_2 = vector.load %arg0[%get3A, %get3A_0, %get3A_1] : memref<2x1152x128xf32, #tpu.memory_space<vmem>>, vector<1x1152x128xf32>
    %get3A_3 = vector.shape_cast %get3A_2 : vector<1x1152x128xf32> to vector<1152x128xf32>
    %get3A_4 = arith.constant 1 : index
    %get3A_5 = arith.constant 0 : index
    %get3A_6 = arith.constant 0 : index
    %get3A_7 = vector.load %arg0[%get3A_4, %get3A_5, %get3A_6] : memref<2x1152x128xf32, #tpu.memory_space<vmem>>, vector<1x1152x128xf32>
    %get3A_8 = vector.shape_cast %get3A_7 : vector<1x1152x128xf32> to vector<1152x128xf32>
    %add3A = arith.addf %get3A_3, %get3A_8 : vector<1152x128xf32>
    %get3A_9 = arith.constant 0 : index
    %get3A_10 = arith.constant 0 : index
    %get3A_11 = vector.load %arg1[%get3A_9, %get3A_10] : memref<32x1152xf32, #tpu.memory_space<vmem>>, vector<32x1152xf32>
    %reduce_sum3A = arith.constant dense<0.000000e+00> : vector<1152xf32>
    %reduce_sum3A_12 = vector.multi_reduction <add>, %get3A_11, %reduce_sum3A [0] : vector<32x1152xf32> to vector<1152xf32>
    %max3A = arith.constant 1.000000e+00 : f32
    %max3A_13 = vector.broadcast %max3A : f32 to vector<1152xf32>
    %max3A_14 = arith.maximumf %reduce_sum3A_12, %max3A_13 : vector<1152xf32>
    %broadcast_in_dim3A = vector.shape_cast %max3A_14 : vector<1152xf32> to vector<1152x1xf32>
    %div3A = vector.broadcast %broadcast_in_dim3A : vector<1152x1xf32> to vector<1152x128xf32>
    %div3A_15 = arith.divf %add3A, %div3A : vector<1152x128xf32>
    %slice3A = vector.extract_strided_slice %div3A_15 {offsets = [0, 0], sizes = [512, 128], strides = [1, 1]} : vector<1152x128xf32> to vector<512x128xf32>
    %swap3A = arith.constant 0 : index
    %swap3A_16 = arith.constant 0 : index
    %swap3A_17 = vector.load %arg2[%swap3A, %swap3A_16] : memref<512x256xf32, #tpu.memory_space<vmem>>, vector<512x128xf32>
    tpu.vector_store %arg2[%swap3A, %swap3A_16], %slice3A {strides = array<i32>} : memref<512x256xf32, #tpu.memory_space<vmem>>, vector<512x128xf32>,
    %slice3A_18 = vector.extract_strided_slice %div3A_15 {offsets = [512, 0], sizes = [512, 128], strides = [1, 1]} : vector<1152x128xf32> to vector<512x128xf32>
    %swap3A_19 = arith.constant 0 : index
    %swap3A_20 = arith.constant 128 : index
    %swap3A_21 = vector.load %arg2[%swap3A_19, %swap3A_20] : memref<512x256xf32, #tpu.memory_space<vmem>>, vector<512x128xf32>
    tpu.vector_store %arg2[%swap3A_19, %swap3A_20], %slice3A_18 {strides = array<i32>} : memref<512x256xf32, #tpu.memory_space<vmem>>, vector<512x128xf32>,
    return
  }
}

</mosaic_0001>

<sc_bundles>
// kernel: kernel.4.cloned.1.call-start
scs
__scs_entry_jumppad:
0x0: {  	(pc) =	sbr.rel $0x88, $3  }
0x1: {  	(tag) =	ssettag $0x0;
	lr =	simm.s32 $0x1  }
0x2: {  	[smem:$0x3F9E] =	sst lr;
	_ =	strace $0xD0000000  }
0x3: {  	_ = 	snop  }
0x4: {  	_ = 	snop  }
0x5: {  	_ = 	snop  }
0x6: {  	_ = 	snop  }
0x7: {  	_ = 	snop  }
__scs_overlays_trampoline_lowered:
0x8: {  	[smem:$0x3FAD] =	sst s0  }
0x9: {  	[smem:$0x3FAE] =	sst s1  }
0xa: {  	[smem:$0x3FAF] =	sst s2  }
0xb: {  	[smem:$0x3FB0] =	sst s3  }
0xc: {  	[smem:$0x3FB1] =	sst s4  }
0xd: {  	[smem:$0x3FB2] =	sst s5  }
0xe: {  	[smem:$0x3FB3] =	sst s6  }
0xf: {  	[smem:$0x3FB4] =	sst s7  }
0x10: {  	[smem:$0x3FB5] =	sst s8  }
0x11: {  	[smem:$0x3FB6] =	sst s9;
	s0 =	simm.s32 @!p0 $0x0  }
0x12: {  	s1 =	sld [smem:$0x3F9C];
	s0 =	simm.s32 @p0 $0x1  }
0x13: {  	[smem:$0x3FB7] =	sst s0;
	s0 =	simm.s32 @!p1 $0x0  }
0x14: {  	s2 =	sld [smem:$0x3F9B];
	s0 =	simm.s32 @p1 $0x1  }
0x15: {  	[smem:$0x3FB8] =	sst s0;
	s0 =	simm.s32 @!p2 $0x0  }
0x16: {  	s3 =	sld [smem:$0x3FDB];
	s0 =	simm.s32 @p2 $0x1  }
0x17: {  	s4 =	simm.s32 $0x1BF5;
	[smem:$0x3FBA] =	sst s0  }
0x18: {  	s0 =	sld [smem:$0x3F9D];
	_ =	swait.ge [sflag:s4], $0x0  }
0x19: {  	s7 =	sld [smem:$0x3F9E]  }
0x1a: {  	s8 =	sadd.s32 $0xFFFFE003, lr  }
0x1b: {  	s9 =	sadd.s32 $0xFFFFFEF7, lr;
	s5 =	simm.s32 $0xFFFFFFFF;
	p2 =	slt.u32 s8, $0xFFFFF086  }
0x1c: {  	p1 =	slt.u32 s9, $0xF7A;
	s5 =	simm.s32 @!p2 $0x0  }
0x1d: {  	s5 =	simm.s32 @p1 $0x1;
	p0 =	seq.s32 s7, s2  }
0x1e: {  	s7 =	smul.u32 @!p0 $0xF7A, s2;
	p2 =	seq.s32 @!p0 s5, $0x0  }
0x1f: {  	s9 =	smul.u32 $0xF7A, s1;
	s8 =	simm.s32 @!p0 $0x1BF5;
	p2 =	por !p2, p0  }
0x20: {  	[sflag:s8] =	ssyncset.s32 @!p0 $0xFFFFF086;
	s6 =	sadd.s32 @!p0 s3, s7;
	s7 =	simm.s32 @!p0 $0x108  }
0x21: {  	s3 =	sadd.s32 s3, s9;
	s6 =	sadd.s32 @!p0 $0x88, s6;
	s7 =	simm.s32 @p2 $0x1082  }
0x22: {  	[simem:s7], [sflag:s8] =	dma.local @!p0 [hbm:s6], $0xF7A  }
0x23: {  	s9 =	sor.u32 $0xD0000000, s2;
	s6 =	simm.s32 $0x108;
	_ =	swait.ge @!p0 [sflag:s8], $0x0  }
0x24: {  	s3 =	sadd.s32 $0x88, s3;
	s6 =	simm.s32 @!p1 $0x1082;
	[sflag:s4] =	ssyncset.s32 $0xFFFFF086  }
0x25: {  	[simem:s6], [sflag:s4] =	dma.local [hbm:s3], $0xF7A  }
0x26: {  	[smem:$0x3F9E] =	sst s1;
	(tag) =	ssettag s2;
	_ =	strace s9  }
0x27: {  	s1 =	sld [smem:$0x3FAE]  }
0x28: {  	s2 =	sld [smem:$0x3FAF]  }
0x29: {  	s4 =	sld [smem:$0x3FB1]  }
0x2a: {  	p0 =	seq.s32 s5, $0x0;
	s5 =	sld [smem:$0x3FB2]  }
0x2b: {  	s6 =	sld [smem:$0x3FB3]  }
0x2c: {  	s7 =	sld [smem:$0x3FB4]  }
0x2d: {  	s3 =	simm.s32 $0x108;
	s8 =	sld [smem:$0x3FB5]  }
0x2e: {  	s3 =	simm.s32 @!p0 $0x1082;
	s9 =	sld [smem:$0x3FB6]  }
0x2f: {  	lr =	sadd.s32 s0, s3;
	s0 =	sld [smem:$0x3FAD]  }
0x30: {  	s3 =	sld [smem:$0x3FB0]  }
0x31: {  	[smem:$0x3FB9] =	sst s10  }
0x32: {  	s10 =	sld [smem:$0x3FB7];
	_ =	sdelay $0x3  }
0x33: {  	p0 =	seq.s32 s10, $0x1;
	s10 =	sld [smem:$0x3FB9];
	_ =	sdelay $0x3  }
0x34: {  	[smem:$0x3FB9] =	sst s10  }
0x35: {  	s10 =	sld [smem:$0x3FB8];
	_ =	sdelay $0x3  }
0x36: {  	p1 =	seq.s32 s10, $0x1;
	s10 =	sld [smem:$0x3FB9];
	_ =	sdelay $0x3  }
0x37: {  	[smem:$0x3FB9] =	sst s10  }
0x38: {  	s10 =	sld [smem:$0x3FBA]  }
0x39: {  	_ = 	snop;
	(pc) =	sbr.ind lr, $3  }
0x3a: {  	_ = 	snop  }
0x3b: {  	_ = 	snop  }
0x3c: {  	p2 =	seq.s32 s10, $0x1;
	s10 =	sld [smem:$0x3FB9]  }
0x3d: {  	_ =	shalt  }
0x3e: {  	_ =	shalt  }
0x3f: {  	_ =	shalt  }
0x40: {  	_ =	shalt  }
0x41: {  	_ =	shalt  }
0x42: {  	_ =	shalt  }
0x43: {  	_ =	shalt  }
0x44: {  	_ =	shalt  }
0x45: {  	_ =	shalt  }
0x46: {  	_ =	shalt  }
0x47: {  	_ =	shalt  }
0x48: {  	_ =	shalt  }
0x49: {  	_ =	shalt  }
0x4a: {  	_ =	shalt  }
0x4b: {  	_ =	shalt  }
0x4c: {  	_ =	shalt  }
0x4d: {  	_ =	shalt  }
0x4e: {  	_ =	shalt  }
0x4f: {  	_ =	shalt  }
0x50: {  	_ =	shalt  }
0x51: {  	_ =	shalt  }
0x52: {  	_ =	shalt  }
0x53: {  	_ =	shalt  }
0x54: {  	_ =	shalt  }
0x55: {  	_ =	shalt  }
0x56: {  	_ =	shalt  }
0x57: {  	_ =	shalt  }
0x58: {  	_ =	shalt  }
0x59: {  	_ =	shalt  }
0x5a: {  	_ =	shalt  }
0x5b: {  	_ =	shalt  }
0x5c: {  	_ =	shalt  }
0x5d: {  	_ =	shalt  }
0x5e: {  	_ =	shalt  }
0x5f: {  	_ =	shalt  }
0x60: {  	_ =	shalt  }
0x61: {  	_ =	shalt  }
0x62: {  	_ =	shalt  }
0x63: {  	_ =	shalt  }
0x64: {  	_ =	shalt  }
0x65: {  	_ =	shalt  }
0x66: {  	_ =	shalt  }
0x67: {  	_ =	shalt  }
0x68: {  	_ =	shalt  }
0x69: {  	_ =	shalt  }
0x6a: {  	_ =	shalt  }
0x6b: {  	_ =	shalt  }
0x6c: {  	_ =	shalt  }
0x6d: {  	_ =	shalt  }
0x6e: {  	_ =	shalt  }
0x6f: {  	_ =	shalt  }
0x70: {  	_ =	shalt  }
0x71: {  	_ =	shalt  }
0x72: {  	_ =	shalt  }
0x73: {  	_ =	shalt  }
0x74: {  	_ =	shalt  }
0x75: {  	_ =	shalt  }
0x76: {  	_ =	shalt  }
0x77: {  	_ =	shalt  }
0x78: {  	_ =	shalt  }
0x79: {  	_ =	shalt  }
0x7a: {  	_ =	shalt  }
0x7b: {  	_ =	shalt  }
0x7c: {  	_ =	shalt  }
0x7d: {  	_ =	shalt  }
0x7e: {  	_ =	shalt  }
0x7f: {  	_ =	shalt  }
0x80: {  	_ =	shalt  }
0x81: {  	_ =	shalt  }
0x82: {  	_ =	shalt  }
0x83: {  	_ =	shalt  }
0x84: {  	_ =	shalt  }
0x85: {  	_ =	shalt  }
0x86: {  	_ =	shalt  }
0x87: {  	_ =	shalt  }
.Lfunc_end0:
.L_simem_size_0:
called_computation_lowered:
.L_overlay_start_0:
0x88: {  	s2 =	sld [smem:$0x3FD9]  }
0x89: {  	s3 =	sld [smem:$0x3FFE];
	_ =	sdelay $0x1  }
0x8a: {  	s1 =	srdreg.scid  }
0x8b: {  	s0 =	sand.u32 $0x1, s1  }
0x8c: {  	s17 =	sshll.u32 s0, $0xA;
	s2 =	sadd.s32 s3, s2  }
0x8d: {  	s2 =	sadd.s32 s2, s17  }
0x8e: {  	[smem:$0x3FC5] =	sst s2  }
0x8f: {  	_ = 	snop  }
0x90: {  	s2 =	sld [smem:$0x3FC9]  }
0x91: {  	s18 =	sld [smem:$0x3FC8]  }
0x92: {  	s4 =	sld [smem:$0x3FC7]  }
0x93: {  	s5 =	sld [smem:$0x3FD0];
	(tm) =	ssettm $0x1  }
0x94: {  	s6 =	sld [smem:$0x3FFB];
	_ =	sdelay $0x3  }
0x95: {  	_ =	strace s6  }
0x96: {  	s6 =	sld [smem:$0x3FFC];
	_ =	sdelay $0x3  }
0x97: {  	_ =	strace s6  }
0x98: {  	s6 =	sld [smem:$0x3FFD];
	_ =	sdelay $0x3  }
0x99: {  	_ =	strace s6  }
0x9a: {  	_ =	strace $0x8FFFFFFF  }
0x9b: {  	s19 =	sld [smem:$0x3FDB];
	_ =	sdelay $0x1  }
0x9c: {  	s7 =	simm.s32 $_scs_section_size  }
0x9d: {  	s8 =	simm.s32 $_size__tile_overlayer_lowered;
	s9 =	simm.s32 $_tile_overlayer_lowered  }
0x9e: {  	s22 =	simm.s32 $0x1BFF;
	s21 =	sshll.u32 s9, $0x1;
	s6 =	sadd.s32 s7, s19  }
0x9f: {  	s10 =	simm.s32 $0x0;
	s20 =	sshll.u32 s8, $0x1;
	s8 =	sadd.s32 s21, s6  }
0xa0: {  	[timem:s10], [sflag:s22] =	dma.local [hbm:s8], s20  }
0xa1: {  	_ =	swait.ge [sflag:s22], s20  }
0xa2: {  	s7 =	ssub.s32 $0x0, s20;
	[sflag:s22] =	ssyncset.done $0x0  }
0xa3: {  	[sflag:s22] =	ssyncadd.s32 s7;
	_ =	sdelay $0x1  }
0xa4: {  	s23 =	simm.s32 $0x1B8B  }
0xa5: {  	_ =	swait.ge [sflag:s23], $0x1  }
0xa6: {  	[sflag:s23] =	ssyncset.done $0x0  }
0xa7: {  	s25 =	simm.s32 $0x1B8E;
	s24 =	sld [smem:$0x3FFE];
	[sflag:s23] =	ssyncadd.s32 $0xFFFFFFFF  }
0xa8: {  	s26 =	simm.s32 $execute0_lowered;
	[smem:$0x3FD2] =	sst s25  }
0xa9: {  	s8 =	sshll.u32 s26, $0x1;
	_ =	strace $0x80000046;
	[dreg:$0x1] =	wrdreg $0xFFFFFFFF  }
0xaa: {  	s28 =	simm.s32 $_size_execute0_lowered;
	s6 =	sadd.s32 s6, s8;
	[dreg:$0x0] =	wrdreg $0x0  }
0xab: {  	s8 =	sshll.u32 s28, $0x1;
	[dreg:$0x2] =	wrdreg s6  }
0xac: {  	[dreg:$0x3] =	wrdreg s8  }
0xad: {  	[dreg:$0x4] =	wrdreg $0xC0  }
0xae: {  	_ =	task [dreg:s10], $0x5FFFF  }
0xaf: {  	[dreg:$0x1] =	wrdreg $0xFFFFFFFF  }
0xb0: {  	[dreg:$0x0] =	wrdreg $0x60  }
0xb1: {  	[dreg:$0x2] =	wrdreg s2  }
0xb2: {  	[dreg:$0x3] =	wrdreg s18  }
0xb3: {  	[dreg:$0x4] =	wrdreg s4  }
0xb4: {  	[dreg:$0x5] =	wrdreg s24  }
0xb5: {  	[dreg:$0x6] =	wrdreg s5  }
0xb6: {  	[dreg:$0x7] =	wrdreg $0x0  }
0xb7: {  	[dreg:$0x8] =	wrdreg $0x9  }
0xb8: {  	_ =	task.clear_ibuf [dreg:s10], $0x9FFFF;
	_ =	strace $0x90000046  }
0xb9: {  	s29 =	simm.s32 $0x9;
	_ =	strace $0x80000048  }
0xba: {  	_ =	swait.ge [sflag:s29], $0x1  }
0xbb: {  	[sflag:s29] =	ssyncadd.s32 $0xFFFFFFFF  }
0xbc: {  	_ =	strace $0x90000048  }
0xbd: {  	_ =	sfence  }
0xbe: {  	s30 =	sld [smem:$0x0];
	_ =	sdelay $0x2  }
0xbf: {  	s31 =	sshll.u32 s1, $0xD;
	s1 =	sshrl.u32 s1, $0x2  }
0xc0: {  	s3 =	sand.u32 $0x4000, s31;
	s1 =	sadd.s32 s1, s30  }
0xc1: {  	s0 =	sor.u32 s3, s0;
	s1 =	sshll.u32 s1, $0x11  }
0xc2: {  	s0 =	sor.u32 s1, s0  }
0xc3: {  	s0 =	sadd.s32 $0x8F2B, s0  }
0xc4: {  	[sflag:s0] =	ssyncadd.remote.s32 $0x1  }
0xc5: {  	_ =	sfence.sel $0xFFFF  }
0xc6: {  	[dreg:$0x0] =	wrdreg $0xFFFFFFFF;
	(pc) =	sbr.abs _section_cstart, $3  }
0xc7: {  	[dreg:$0x1] =	wrdreg $0xFFFFFFFF  }
0xc8: {  	_ =	task.clear_ibuf [dreg:s10], $0x2FFFF;
	_ =	strace $0x9FFFFFFF  }
0xc9: {  	(tm) =	ssettm $0x7FFFFFFF  }
tec
execute0_lowered:
.L_overlay_start_1:
0x0: {  	(tag) =	ssettag $0x1  }
0x1: {  	s0 =	rddreg [dreg:$0x0]  }
0x2: {  	s2 =	rddreg [dreg:$0x1]  }
0x3: {  	s3 =	rddreg [dreg:$0x2]  }
0x4: {  	s8 =	rddreg [dreg:$0x3]  }
0x5: {  	s5 =	rddreg [dreg:$0x4]  }
0x6: {  	s4 =	rddreg [dreg:$0x5];
	s1 =	srdreg.scid;
	s6 =	simm.s32 $0x0  }
0x7: {  	s15 =	stileid.u32;
	s28 =	simm.s32 $0x2400;
	s31 =	simm.s32 $0x6400  }
0x8: {  	s30 =	simm.s32 $0xA400;
	s1 =	sand.u32 $0x1, s1;
	s9 =	smul.u32 $0x2400, s15  }
0x9: {  	[smem:$0x7FF] =	sst s6;
	s10 =	sshll.u32 s15, $0x1;
	s7 =	smul.u32 $0x24000, s1  }
0xa: {  	s20 =	smul.u32 $0x9000, s15;
	s21 =	sshrl.u32 s15, $0x2;
	s24 =	ssub.s32 $0x2, s1  }
0xb: {  	_ =	strace $0x80000047;
	s12 =	sshrl.u32 s24, $0x1;
	s7 =	sadd.s32 s9, s7  }
0xc: {  	s22 =	smul.u32 $0x2400, s21;
	s9 =	ssub.s32 s24, s12;
	s11 =	sshrl.u32 s7, $0x3  }
0xd: {  	s7 =	sor.u32 s1, s10;
	s1 =	sshll.u32 s1, $0x7;
	s10 =	sadd.s32 s11, s8  }
0xe: {  	s25 =	sshll.u32 s7, $0x7;
	s26 =	sshll.u32 s7, $0xB;
	s29 =	sshll.u32 s7, $0x4  }
0xf: {  	s13 =	sor.u32 $0x1000, s25;
	s14 =	sadd.s32 s2, s29;
	s12 =	sadd.s32 s3, s29  }
0x10: {  	s11 =	sadd.s32 s0, s26;
	s18 =	sor.u32 $0x2000, s25;
	s8 =	sand.u32 $0x380, s25  }
0x11: {  	s10 =	sadd.s32 $0xC00, s10;
	s26 =	smax.u32 s9, $0x1;
	[dreg:$0x7] =	wrdreg s14  }
0x12: {  	v0 =	vimm.s32 $0x2780;
	vm0 =	vcmask $0x300;
	s29 =	sshll.u32 s15, $0x8;
	s9 =	simm.s32 $0x1;
	[dreg:$0x8] =	wrdreg s12  }
0x13: {  	vm14 =	vcmask $0x704;
	v0 =	vsel vm0, $0x0, v0;
	s15 =	simm.s32 $0x4;
	s14 =	sshrl.u32 s13, $0x3;
	[dreg:$0x9] =	wrdreg s11  }
0x14: {  	vm15 =	vcmask $0xB08;
	v0 =	vsel vm14, $0x80, v0;
	s17 =	sshll.u32 s13, $0x4;
	s19 =	sshrl.u32 s18, $0x3;
	[dreg:$0x13] =	wrdreg s10  }
0x15: {  	vm4 =	vcmask $0xF0C;
	v0 =	vsel vm15, $0x100, v0;
	s13 =	sshrl.u32 s20, $0x2;
	s8 =	sor.u32 s22, s8;
	[dreg:$0x15] =	wrdreg s26  }
0x16: {  	vm5 =	vcmask $0x1310;
	v0 =	vsel vm4, $0x180, v0;
	s1 =	sor.u32 s1, s29;
	s26 =	simm.s32 $0xE480;
	s10 =	simm.s32 $0xE880  }
0x17: {  	vm6 =	vcmask $0x1714;
	vm7 =	vcmask $0x1B18;
	v0 =	vsel vm5, $0x200, v0;
	s22 =	simm.s32 $0x6;
	s16 =	sadd.s32 s2, s14;
	[dreg:$0x16] =	wrdreg s1  }
0x18: {  	vm8 =	vcmask $0x1F1C;
	vm9 =	vcmask $0x2320;
	v0 =	vsel vm6, $0x280, v0;
	s12 =	sadd.s32 s3, s14;
	s11 =	sadd.s32 s0, s17;
	[dreg:$0xa] =	wrdreg s16  }
0x19: {  	vm10 =	vcmask $0x2724;
	vm11 =	vcmask $0x2B28;
	v0 =	vsel vm7, $0x300, v0;
	s23 =	sadd.s32 s13, s4;
	s25 =	sshrl.u32 s8, $0x3;
	[dreg:$0xb] =	wrdreg s12  }
0x1a: {  	vm12 =	vcmask $0x2F2C;
	vm13 =	vcmask $0x3330;
	v0 =	vsel vm8, $0x380, v0;
	s8 =	sor.u32 $0x40, s7;
	s13 =	simm.s32 $0x2;
	[dreg:$0xc] =	wrdreg s11  }
0x1b: {  	v11 =	vlaneseq.u32;
	v4 =	vimm.f32 $1.000000000e+00;
	v0 =	vsel vm9, $0x2400, v0;
	s14 =	simm.s32 $0x0;
	s16 =	sadd.s32 s2, s19;
	[dreg:$0x10] =	wrdreg s23  }
0x1c: {  	v5 =	vadd.s32 $0x11, v11;
	v6 =	vadd.s32 $0x21, v11;
	s12 =	sadd.s32 s3, s19;
	s11 =	sshll.u32 s18, $0x4;
	v1 =	vsel vm10, $0x2480, v0;
	[dreg:$0xd] =	wrdreg s16  }
0x1d: {  	v7 =	vadd.s32 $0x31, v11;
	v8 =	vadd.s32 $0x41, v11;
	s24 =	sadd.s32 $0xC00, s23;
	s5 =	sadd.s32 s5, s25;
	[dreg:$0xe] =	wrdreg s12;
	v2 =	vsel vm11, $0x2500, v1  }
0x1e: {  	v9 =	vadd.s32 $0x51, v11;
	v10 =	vadd.s32 $0x61, v11;
	s25 =	simm.s32 $0xE400;
	s18 =	simm.s32 $0xE800;
	[dreg:$0x11] =	wrdreg s24;
	v2 =	vsel vm12, $0x2580, v2  }
0x1f: {  	vm14 =	vcmask $0x3734;
	vm15 =	vcmask $0x3B38;
	s19 =	simm.s32 $0x5;
	s11 =	sadd.s32 s0, s11;
	[dreg:$0x14] =	wrdreg s5;
	v3 =	vsel vm13, $0x2600, v2  }
0x20: {  	v0 =	vimm.f32 $0.0e+00;
	v1 =	vimm.s32 $0x0;
	s12 =	simm.s32 $0xE700;
	[dreg:$0xf] =	wrdreg s11;
	s11 =	sadd.s32 $0x1800, s23;
	v3 =	vsel vm14, $0x2680, v3  }
0x21: {  	s16 =	simm.s32 $0x3;
	[dreg:$0x12] =	wrdreg s11;
	s11 =	simm.s32 $0x80;
	v2 =	vadd.s32 $0x1, v11;
	v11 =	vadd.s32 $0x71, v11;
	v3 =	vsel vm15, $0x2700, v3  }
.LBB2_1:
0x22: {  	[dreg:$0x17] =	wrdreg s14  }
0x23: {  	s1 =	rddreg [dreg:$0x7]  }
0x24: {  	[tilespmem:s25], [sflag:$0x1] =	stream.linear.gather [hbm4b:s1+s6], $0x80, $0x38;
	[tilespmem:$0x14100] =	vst v63  }
0x25: {  	s23 =	rddreg [dreg:$0x8]  }
0x26: {  	[tilespmem:s26], [sflag:$0x1] =	stream.linear.gather [hbm4b:s23+s6], $0x80, $0x38;
	[tilespmem:$0x14100] =	vst v63  }
0x27: {  	s24 =	rddreg [dreg:$0x9]  }
0x28: {  	[tilespmem:s28], [sflag:$0x1] =	stream.linear.gather [hbm4b:s24+s6], $0x4000, $0x38;
	[tilespmem:$0x14100] =	vst v63  }
0x29: {  	s29 =	rddreg [dreg:$0xa];
	s5 =	simm.s32 $0xE500  }
0x2a: {  	[tilespmem:s5], [sflag:$0x2] =	stream.linear.gather [hbm4b:s29+s6], $0x80, $0x38;
	[tilespmem:$0x14100] =	vst v63  }
0x2b: {  	s14 =	simm.s32 $0xE580;
	s5 =	rddreg [dreg:$0xb]  }
0x2c: {  	[tilespmem:s14], [sflag:$0x2] =	stream.linear.gather [hbm4b:s5+s6], $0x80, $0x38;
	[tilespmem:$0x14100] =	vst v63  }
0x2d: {  	s17 =	rddreg [dreg:$0xc]  }
0x2e: {  	[tilespmem:s31], [sflag:$0x2] =	stream.linear.gather [hbm4b:s17+s6], $0x4000, $0x38;
	[tilespmem:$0x14100] =	vst v63  }
0x2f: {  	s20 =	rddreg [dreg:$0xd];
	s21 =	simm.s32 $0xE600  }
0x30: {  	[tilespmem:s21], [sflag:$0x3] =	stream.linear.gather [hbm4b:s20+s6], $0x80, $0x38;
	[tilespmem:$0x14100] =	vst v63  }
0x31: {  	s23 =	rddreg [dreg:$0xe];
	s24 =	simm.s32 $0xE680  }
0x32: {  	[tilespmem:s24], [sflag:$0x3] =	stream.linear.gather [hbm4b:s23+s6], $0x80, $0x38;
	[tilespmem:$0x14100] =	vst v63  }
0x33: {  	s29 =	rddreg [dreg:$0xf];
	s5 =	simm.s32 $0x0;
	s17 =	simm.s32 $0x200  }
0x34: {  	[tilespmem:s30], [sflag:$0x3] =	stream.linear.gather [hbm4b:s29+s6], $0x4000, $0x38;
	[tilespmem:$0x14100] =	vst v63  }
.LBB2_2:
0x35: {  	p0 =	sne.s32 s17, $0x2E00;
	[tilespmem:s5+$0x13570] =	vst v0  }
0x36: {  	[tilespmem:s5+$0x13500] =	vst v0  }
0x37: {  	[tilespmem:s5+$0x13510] =	vst v0  }
.Ltmp0:
0x38: {  	[tilespmem:s5+$0x13520] =	vst v0;
	(pc) =	sbr.rel @p0 .LBB2_2-.Ltmp0, $4  }
0x39: {  	[tilespmem:s5+$0x13530] =	vst v0  }
0x3a: {  	[tilespmem:s5+$0x13540] =	vst v0  }
0x3b: {  	[tilespmem:s5+$0x13550] =	vst v0  }
0x3c: {  	[tilespmem:s5+$0x13560] =	vst v0;
	s5 =	sshra.s32 s17, $0x2;
	s17 =	sadd.s32 $0x200, s17  }
0x3d: {  	[tilespmem:s5+$0x13570] =	vst v0  }
0x3e: {  	[tilespmem:s5+$0x13500] =	vst v0  }
0x3f: {  	[tilespmem:s5+$0x13510] =	vst v0  }
0x40: {  	[tilespmem:s5+$0x13520] =	vst v0  }
0x41: {  	[tilespmem:s5+$0x13530] =	vst v0  }
0x42: {  	[tilespmem:s5+$0x13540] =	vst v0;
	s17 =	simm.s32 $0x0  }
0x43: {  	[tilespmem:s5+$0x13550] =	vst v0;
	s20 =	sand.u32 $0x70, s17;
	s21 =	sand.u32 $0x3C00, s17  }
0x44: {  	[tilespmem:s5+$0x13560] =	vst v0;
	s5 =	sor.u32 s20, s21  }
0x45: {  	[tilespmem:s5+$0xE900] =	vst v0  }
0x46: {  	[tilespmem:s5+$0xE980] =	vst v0  }
0x47: {  	[tilespmem:s5+$0xEA00] =	vst v0  }
0x48: {  	s24 =	sand.u32 $0x7, s17;
	s20 =	simm.s32 $0x10;
	s21 =	simm.s32 $0x0;
	[tilespmem:s5+$0xEA80] =	vst v0  }
.LBB2_4:
0x49: {  	p0 =	sne.s32 s20, $0x470;
	s24 =	sshll.u32 s24, $0x4;
	[tilespmem:s5+$0xEB00] =	vst v0  }
0x4a: {  	s24 =	sadd.s32 s24, s17;
	[tilespmem:s5+$0xEB80] =	vst v0  }
0x4b: {  	[tilespmem:s5+$0xE880] =	vst v0;
	s24 =	sor.u32 $0x380, s24  }
0x4c: {  	[tilespmem:s24+$0xE880] =	vst v0  }
0x4d: {  	[tilespmem:s5+$0x10C80] =	vst v0  }
0x4e: {  	[tilespmem:s5+$0x10D00] =	vst v0  }
0x4f: {  	[tilespmem:s5+$0x10D80] =	vst v0  }
0x50: {  	[tilespmem:s5+$0x10E00] =	vst v0  }
0x51: {  	[tilespmem:s5+$0x10E80] =	vst v0  }
0x52: {  	s17 =	sadd.s32 $0x80, s17;
	[tilespmem:s5+$0x10F00] =	vst v0  }
0x53: {  	s1 =	sand.u32 $0x3C00, s17;
	s24 =	sand.u32 $0x70, s20;
	[tilespmem:s5+$0x10F80] =	vst v0  }
.Ltmp1:
0x54: {  	[tilespmem:s5+$0x11000] =	vst v0;
	s5 =	sor.u32 s24, s1;
	(pc) =	sbr.rel @p0 .LBB2_4-.Ltmp1, $4  }
0x55: {  	[tilespmem:s5+$0xE900] =	vst v0  }
0x56: {  	[tilespmem:s5+$0xE980] =	vst v0  }
0x57: {  	s21 =	sadd.s32 $0x1, s21;
	[tilespmem:s5+$0xEA00] =	vst v0  }
0x58: {  	s20 =	sadd.s32 $0x10, s20;
	s24 =	sand.u32 $0x7, s21;
	[tilespmem:s5+$0xEA80] =	vst v0  }
0x59: {  	s1 =	sshll.u32 s24, $0x4;
	[tilespmem:s5+$0xEB00] =	vst v0  }
0x5a: {  	[tilespmem:s5+$0xEB80] =	vst v0;
	s1 =	sadd.s32 s1, s17  }
0x5b: {  	[tilespmem:s5+$0xE880] =	vst v0;
	s1 =	sor.u32 $0x380, s1  }
0x5c: {  	[tilespmem:s1+$0xE880] =	vst v0  }
0x5d: {  	[tilespmem:s5+$0x10C80] =	vst v0  }
0x5e: {  	[tilespmem:s5+$0x10D00] =	vst v0  }
0x5f: {  	[tilespmem:s5+$0x10D80] =	vst v0  }
0x60: {  	[tilespmem:s5+$0x10E00] =	vst v0  }
0x61: {  	[tilespmem:s5+$0x10E80] =	vst v0  }
0x62: {  	[tilespmem:s5+$0x10F00] =	vst v0  }
0x63: {  	[tilespmem:s5+$0x10F80] =	vst v0  }
0x64: {  	s20 =	rddreg [dreg:$0x10];
	s21 =	simm.s32 $0x13500;
	[tilespmem:s5+$0x11000] =	vst v0  }
0x65: {  	[spmem:s20] =	stream.linear.scatter [tilespmem:s21], [sflag:$0x7], $0xC00, $0x38;
	[tilespmem:$0x14100] =	vst v63  }
0x66: {  	s23 =	rddreg [dreg:$0x11]  }
0x67: {  	[spmem:s23] =	stream.linear.scatter [tilespmem:s21], [sflag:$0x7], $0xC00, $0x38;
	[tilespmem:$0x14100] =	vst v63  }
0x68: {  	s24 =	rddreg [dreg:$0x12];
	s29 =	simm.s32 $0x7  }
0x69: {  	[spmem:s24] =	stream.linear.scatter [tilespmem:s21], [sflag:$0x7], $0xC00, $0x38;
	[tilespmem:$0x14100] =	vst v63  }
0x6a: {  	_ =	swait.ge [sflag:s29], $0xC00  }
0x6b: {  	[sflag:s29] =	ssyncset.done $0x0  }
0x6c: {  	[sflag:s29] =	ssyncadd.s32 $0xFFFFF400  }
0x6d: {  	_ =	swait.ge [sflag:s29], $0xC00  }
0x6e: {  	[sflag:s29] =	ssyncset.done $0x0  }
0x6f: {  	[sflag:s29] =	ssyncadd.s32 $0xFFFFF400  }
.Ltmp2:
0x70: {  	_ =	swait.ge [sflag:s29], $0xC00;
	(pc) =	sbr.rel .LBB2_6-.Ltmp2, $4  }
0x71: {  	[sflag:s29] =	ssyncset.done $0x0  }
0x72: {  	[sflag:s29] =	ssyncadd.s32 $0xFFFFF400  }
0x73: {  	[bflag:$0x0] =	sbarrier.arrive $0xFFFF  }
0x74: {  	s5 =	simm.s32 $0x0;
	s24 =	simm.s32 $0x0;
	s17 =	rddreg [dreg:$0x16]  }
.LBB2_8:
0x75: {  	s20 =	sadd.s32 $0x40, s21  }
0x76: {  	s1 =	sadd.s32 $0x2000, s17;
	p0 =	slt.u32 s20, $0x30D  }
0x77: {  	s1 =	simm.s32 @!p0 $0x18620  }
0x78: {  	s29 =	sshrl.u32 s1, $0x3  }
0x79: {  	s14 =	simm.s32 $0xE600;
	s23 =	sadd.s32 s2, s29  }
0x7a: {  	[tilespmem:s14], [sflag:$0x3] =	stream.linear.gather [hbm4b:s23+s6], $0x80, $0x38;
	[tilespmem:$0x14100] =	vst v63  }
0x7b: {  	s1 =	sshll.u32 s1, $0x4;
	s14 =	sadd.s32 s3, s29;
	s29 =	simm.s32 $0xE680  }
0x7c: {  	[tilespmem:s29], [sflag:$0x3] =	stream.linear.gather [hbm4b:s14+s6], $0x80, $0x38;
	[tilespmem:$0x14100] =	vst v63  }
0x7d: {  	s1 =	sadd.s32 s0, s1  }
0x7e: {  	[tilespmem:s30], [sflag:$0x3] =	stream.linear.gather [hbm4b:s1+s6], $0x4000, $0x38;
	[tilespmem:$0x14100] =	vst v63  }
.LBB2_9:
0x7f: {  	_ =	swait.ge [sflag:s13], $0x80  }
0x80: {  	[sflag:s13] =	ssyncset.done $0x0  }
0x81: {  	[sflag:s13] =	ssyncadd.s32 $0xFFFFFF80  }
0x82: {  	_ =	swait.ge [sflag:s13], $0x80  }
0x83: {  	[sflag:s13] =	ssyncset.done $0x0  }
0x84: {  	[sflag:s13] =	ssyncadd.s32 $0xFFFFFF80  }
0x85: {  	_ =	swait.ge [sflag:s13], $0x4000  }
0x86: {  	[sflag:s13] =	ssyncset.done $0x0  }
0x87: {  	[sflag:s13] =	ssyncadd.s32 $0xFFFFC000  }
0x88: {  	v12 =	vld [tilespmem:$0xE500];
	_ =	sdelay $0x1  }
0x89: {  	v13 =	vld [tilespmem:$0xE580]  }
0x8a: {  	s1 =	sadd.s32 $0x20, s21;
	p0 =	seq.s32 s21, $0x2ED;
	s23 =	simm.s32 $0x60  }
0x8b: {  	p1 =	slt.u32 s1, $0x30D;
	s23 =	simm.s32 @!p0 $0x80  }
0x8c: {  	s23 =	simm.s32 @p1 $0x0;
	vm0 =	veq.s32 v12, $0x64  }
0x8d: {  	v14 =	vmov s23;
	v12 =	vsel vm0, $0x200, v1  }
0x8e: {  	vm9 =	vlt.u32 v14, v2;
	v12 =	vadd.s32 v13, v12  }
0x8f: {  	v12 =	vnsel vm9, $0x400, v12  }
0x90: {  	v63 =	vshll.u32 v12, $0x3  }
0x91: {  	v15 =	vand.u32 $0x7F, v12;
	v13 =	vand.u32 $0xFFFFFC00, v63  }
0x92: {  	v13 =	vor.u32 v15, v13  }
0x93: {  	v13 =	vadd.s32 v3, v13;
	_ =	sdelay $0x3  }
0x94: {  	[tilespmem:$0xE780] =	vst v12  }
0x95: {  	[tilespmem:v13+s10+$0x0] =	vst.idx.add.f32.msk $0xffff, v4  }
0x96: {  	v17 =	vld [tilespmem:$0xE510];
	_ =	sdelay $0x1  }
0x97: {  	v13 =	vld [tilespmem:$0xE590];
	_ =	sdelay $0x2  }
0x98: {  	vm10 =	veq.s32 v17, $0x64  }
0x99: {  	v12 =	vsel vm10, $0x200, v1  }
0x9a: {  	vm11 =	vlt.u32 v14, v5;
	v12 =	vadd.s32 v13, v12  }
0x9b: {  	v12 =	vnsel vm11, $0x400, v12  }
0x9c: {  	v18 =	vshll.u32 v12, $0x3  }
0x9d: {  	v19 =	vand.u32 $0x7F, v12;
	v13 =	vand.u32 $0xFFFFFC00, v18  }
0x9e: {  	v13 =	vor.u32 v19, v13  }
0x9f: {  	v13 =	vadd.s32 v3, v13;
	_ =	sdelay $0x3  }
0xa0: {  	[tilespmem:$0xE790] =	vst v12  }
0xa1: {  	[tilespmem:v13+s10+$0x0] =	vst.idx.add.f32.msk $0xffff, v4  }
0xa2: {  	v20 =	vld [tilespmem:$0xE520];
	_ =	sdelay $0x1  }
0xa3: {  	v13 =	vld [tilespmem:$0xE5A0];
	_ =	sdelay $0x2  }
0xa4: {  	vm12 =	veq.s32 v20, $0x64  }
0xa5: {  	v12 =	vsel vm12, $0x200, v1  }
0xa6: {  	vm13 =	vlt.u32 v14, v6;
	v12 =	vadd.s32 v13, v12  }
0xa7: {  	v12 =	vnsel vm13, $0x400, v12  }
0xa8: {  	v21 =	vshll.u32 v12, $0x3  }
0xa9: {  	v22 =	vand.u32 $0x7F, v12;
	v13 =	vand.u32 $0xFFFFFC00, v21  }
0xaa: {  	v13 =	vor.u32 v22, v13  }
0xab: {  	v13 =	vadd.s32 v3, v13;
	_ =	sdelay $0x3  }
0xac: {  	[tilespmem:$0xE7A0] =	vst v12  }
0xad: {  	[tilespmem:v13+s10+$0x0] =	vst.idx.add.f32.msk $0xffff, v4  }
0xae: {  	v23 =	vld [tilespmem:$0xE530];
	_ =	sdelay $0x1  }
0xaf: {  	v13 =	vld [tilespmem:$0xE5B0];
	_ =	sdelay $0x2  }
0xb0: {  	vm14 =	veq.s32 v23, $0x64  }
0xb1: {  	v12 =	vsel vm14, $0x200, v1  }
0xb2: {  	vm15 =	vlt.u32 v14, v7;
	v12 =	vadd.s32 v13, v12  }
0xb3: {  	v12 =	vnsel vm15, $0x400, v12  }
0xb4: {  	v24 =	vshll.u32 v12, $0x3  }
0xb5: {  	v25 =	vand.u32 $0x7F, v12;
	v13 =	vand.u32 $0xFFFFFC00, v24  }
0xb6: {  	v13 =	vor.u32 v25, v13  }
0xb7: {  	v13 =	vadd.s32 v3, v13;
	_ =	sdelay $0x3  }
0xb8: {  	[tilespmem:$0xE7B0] =	vst v12  }
0xb9: {  	[tilespmem:v13+s10+$0x0] =	vst.idx.add.f32.msk $0xffff, v4  }
0xba: {  	v26 =	vld [tilespmem:$0xE540];
	_ =	sdelay $0x1  }
0xbb: {  	v13 =	vld [tilespmem:$0xE5C0];
	_ =	sdelay $0x2  }
0xbc: {  	vm4 =	veq.s32 v26, $0x64  }
0xbd: {  	v12 =	vsel vm4, $0x200, v1  }
0xbe: {  	vm5 =	vlt.u32 v14, v8;
	v12 =	vadd.s32 v13, v12  }
0xbf: {  	v12 =	vnsel vm5, $0x400, v12  }
0xc0: {  	v27 =	vshll.u32 v12, $0x3  }
0xc1: {  	v28 =	vand.u32 $0x7F, v12;
	v13 =	vand.u32 $0xFFFFFC00, v27  }
0xc2: {  	v13 =	vor.u32 v28, v13  }
0xc3: {  	v13 =	vadd.s32 v3, v13;
	_ =	sdelay $0x3  }
0xc4: {  	[tilespmem:$0xE7C0] =	vst v12  }
0xc5: {  	[tilespmem:v13+s10+$0x0] =	vst.idx.add.f32.msk $0xffff, v4  }
0xc6: {  	v29 =	vld [tilespmem:$0xE550];
	_ =	sdelay $0x1  }
0xc7: {  	v13 =	vld [tilespmem:$0xE5D0];
	_ =	sdelay $0x2  }
0xc8: {  	vm6 =	veq.s32 v29, $0x64  }
0xc9: {  	v12 =	vsel vm6, $0x200, v1  }
0xca: {  	vm7 =	vlt.u32 v14, v9;
	v12 =	vadd.s32 v13, v12  }
0xcb: {  	v12 =	vnsel vm7, $0x400, v12  }
0xcc: {  	v30 =	vshll.u32 v12, $0x3  }
0xcd: {  	v31 =	vand.u32 $0x7F, v12;
	v13 =	vand.u32 $0xFFFFFC00, v30  }
0xce: {  	v13 =	vor.u32 v31, v13  }
0xcf: {  	v13 =	vadd.s32 v3, v13;
	_ =	sdelay $0x3  }
0xd0: {  	[tilespmem:$0xE7D0] =	vst v12  }
0xd1: {  	[tilespmem:v13+s10+$0x0] =	vst.idx.add.f32.msk $0xffff, v4  }
0xd2: {  	v32 =	vld [tilespmem:$0xE560];
	_ =	sdelay $0x1  }
0xd3: {  	v13 =	vld [tilespmem:$0xE5E0];
	_ =	sdelay $0x2  }
0xd4: {  	vm8 =	veq.s32 v32, $0x64  }
0xd5: {  	v12 =	vsel vm8, $0x200, v1  }
0xd6: {  	vm9 =	vlt.u32 v14, v10;
	v12 =	vadd.s32 v13, v12  }
0xd7: {  	v12 =	vnsel vm9, $0x400, v12  }
0xd8: {  	v33 =	vshll.u32 v12, $0x3  }
0xd9: {  	v34 =	vand.u32 $0x7F, v12;
	v13 =	vand.u32 $0xFFFFFC00, v33  }
0xda: {  	v13 =	vor.u32 v34, v13  }
0xdb: {  	v13 =	vadd.s32 v3, v13;
	_ =	sdelay $0x3  }
0xdc: {  	[tilespmem:$0xE7E0] =	vst v12  }
0xdd: {  	[tilespmem:v13+s10+$0x0] =	vst.idx.add.f32.msk $0xffff, v4  }
0xde: {  	v35 =	vld [tilespmem:$0xE570];
	_ =	sdelay $0x1  }
0xdf: {  	v13 =	vld [tilespmem:$0xE5F0];
	_ =	sdelay $0x2  }
0xe0: {  	vm10 =	veq.s32 v35, $0x64  }
0xe1: {  	v12 =	vsel vm10, $0x200, v1  }
0xe2: {  	vm11 =	vlt.u32 v14, v11;
	v12 =	vadd.s32 v13, v12  }
0xe3: {  	v12 =	vnsel vm11, $0x400, v12  }
0xe4: {  	v36 =	vshll.u32 v12, $0x3  }
0xe5: {  	v37 =	vand.u32 $0x7F, v12;
	v13 =	vand.u32 $0xFFFFFC00, v36  }
0xe6: {  	v13 =	vor.u32 v37, v13  }
0xe7: {  	v13 =	vadd.s32 v3, v13;
	_ =	sdelay $0x3  }
0xe8: {  	s29 =	sadd.s32 $0x60, s21;
	s21 =	sadd.s32 $0x3000, s17;
	[tilespmem:$0xE7F0] =	vst v12  }
0xe9: {  	p0 =	slt.u32 s29, $0x30D;
	s1 =	smov.u32 s21;
	s23 =	simm.s32 $0xE780;
	[tilespmem:v13+s10+$0x0] =	vst.idx.add.f32.msk $0xffff, v4  }
0xea: {  	[spmem:s4] =	stream.indirect.scatter.add.f32 [tilespmem:s31], [sflag:$0x5], $0x80, s23, s11, $0xb8;
	[tilespmem:$0x14100] =	vst v63  }
0xeb: {  	s1 =	simm.s32 @!p0 $0x18620;
	_ =	swait.ge [sflag:s15], $0x4000  }
0xec: {  	s14 =	sshrl.u32 s1, $0x3;
	[sflag:s15] =	ssyncset.done $0x0  }
0xed: {  	s29 =	sadd.s32 s2, s14;
	[sflag:s15] =	ssyncadd.s32 $0xFFFFC000  }
0xee: {  	[tilespmem:s25], [sflag:$0x1] =	stream.linear.gather [hbm4b:s29+s6], $0x80, $0x38;
	[tilespmem:$0x14100] =	vst v63  }
0xef: {  	s1 =	sshll.u32 s1, $0x4;
	s23 =	sadd.s32 s3, s14  }
0xf0: {  	[tilespmem:s26], [sflag:$0x1] =	stream.linear.gather [hbm4b:s23+s6], $0x80, $0x38;
	[tilespmem:$0x14100] =	vst v63  }
0xf1: {  	s1 =	sadd.s32 s0, s1  }
0xf2: {  	[tilespmem:s28], [sflag:$0x1] =	stream.linear.gather [hbm4b:s1+s6], $0x4000, $0x38;
	[tilespmem:$0x14100] =	vst v63  }
0xf3: {  	_ =	swait.ge [sflag:s16], $0x80  }
0xf4: {  	[sflag:s16] =	ssyncset.done $0x0  }
0xf5: {  	[sflag:s16] =	ssyncadd.s32 $0xFFFFFF80  }
0xf6: {  	_ =	swait.ge [sflag:s16], $0x80  }
0xf7: {  	[sflag:s16] =	ssyncset.done $0x0  }
0xf8: {  	[sflag:s16] =	ssyncadd.s32 $0xFFFFFF80  }
0xf9: {  	_ =	swait.ge [sflag:s16], $0x4000  }
0xfa: {  	[sflag:s16] =	ssyncset.done $0x0  }
0xfb: {  	[sflag:s16] =	ssyncadd.s32 $0xFFFFC000  }
0xfc: {  	v38 =	vld [tilespmem:$0xE600];
	_ =	sdelay $0x1  }
0xfd: {  	v39 =	vld [tilespmem:$0xE680]  }
0xfe: {  	p0 =	seq.s32 s20, $0x30D;
	s1 =	simm.s32 $0x60  }
0xff: {  	p1 =	slt.u32 s20, $0x30D;
	s1 =	simm.s32 @!p0 $0x80  }
0x100: {  	s1 =	simm.s32 @p1 $0x0;
	vm12 =	veq.s32 v38, $0x64  }
0x101: {  	v40 =	vmov s1;
	v12 =	vsel vm12, $0x200, v1  }
0x102: {  	vm13 =	vlt.u32 v40, v2;
	v12 =	vadd.s32 v39, v12  }
0x103: {  	v12 =	vnsel vm13, $0x400, v12  }
0x104: {  	v41 =	vshll.u32 v12, $0x3  }
0x105: {  	v42 =	vand.u32 $0x7F, v12;
	v13 =	vand.u32 $0xFFFFFC00, v41  }
0x106: {  	v13 =	vor.u32 v42, v13  }
0x107: {  	v13 =	vadd.s32 v3, v13;
	_ =	sdelay $0x3  }
0x108: {  	[tilespmem:$0xE800] =	vst v12  }
0x109: {  	[tilespmem:v13+s10+$0x0] =	vst.idx.add.f32.msk $0xffff, v4  }
0x10a: {  	v43 =	vld [tilespmem:$0xE610];
	_ =	sdelay $0x1  }
0x10b: {  	v13 =	vld [tilespmem:$0xE690];
	_ =	sdelay $0x2  }
0x10c: {  	vm14 =	veq.s32 v43, $0x64  }
0x10d: {  	v12 =	vsel vm14, $0x200, v1  }
0x10e: {  	vm15 =	vlt.u32 v40, v5;
	v12 =	vadd.s32 v13, v12  }
0x10f: {  	v12 =	vnsel vm15, $0x400, v12  }
0x110: {  	v44 =	vshll.u32 v12, $0x3  }
0x111: {  	v45 =	vand.u32 $0x7F, v12;
	v13 =	vand.u32 $0xFFFFFC00, v44  }
0x112: {  	v13 =	vor.u32 v45, v13  }
0x113: {  	v13 =	vadd.s32 v3, v13;
	_ =	sdelay $0x3  }
0x114: {  	[tilespmem:$0xE810] =	vst v12  }
0x115: {  	[tilespmem:v13+s10+$0x0] =	vst.idx.add.f32.msk $0xffff, v4  }
0x116: {  	v46 =	vld [tilespmem:$0xE620];
	_ =	sdelay $0x1  }
0x117: {  	v13 =	vld [tilespmem:$0xE6A0];
	_ =	sdelay $0x2  }
0x118: {  	vm4 =	veq.s32 v46, $0x64  }
0x119: {  	v12 =	vsel vm4, $0x200, v1  }
0x11a: {  	vm5 =	vlt.u32 v40, v6;
	v12 =	vadd.s32 v13, v12  }
0x11b: {  	v12 =	vnsel vm5, $0x400, v12  }
0x11c: {  	v47 =	vshll.u32 v12, $0x3  }
0x11d: {  	v48 =	vand.u32 $0x7F, v12;
	v13 =	vand.u32 $0xFFFFFC00, v47  }
0x11e: {  	v13 =	vor.u32 v48, v13  }
0x11f: {  	v13 =	vadd.s32 v3, v13;
	_ =	sdelay $0x3  }
0x120: {  	[tilespmem:$0xE820] =	vst v12  }
0x121: {  	[tilespmem:v13+s10+$0x0] =	vst.idx.add.f32.msk $0xffff, v4  }
0x122: {  	v49 =	vld [tilespmem:$0xE630];
	_ =	sdelay $0x1  }
0x123: {  	v13 =	vld [tilespmem:$0xE6B0];
	_ =	sdelay $0x2  }
0x124: {  	vm6 =	veq.s32 v49, $0x64  }
0x125: {  	v12 =	vsel vm6, $0x200, v1  }
0x126: {  	vm7 =	vlt.u32 v40, v7;
	v12 =	vadd.s32 v13, v12  }
0x127: {  	v12 =	vnsel vm7, $0x400, v12  }
0x128: {  	v50 =	vshll.u32 v12, $0x3  }
0x129: {  	v51 =	vand.u32 $0x7F, v12;
	v13 =	vand.u32 $0xFFFFFC00, v50  }
0x12a: {  	v13 =	vor.u32 v51, v13  }
0x12b: {  	v13 =	vadd.s32 v3, v13;
	_ =	sdelay $0x3  }
0x12c: {  	[tilespmem:$0xE830] =	vst v12  }
0x12d: {  	[tilespmem:v13+s10+$0x0] =	vst.idx.add.f32.msk $0xffff, v4  }
0x12e: {  	v52 =	vld [tilespmem:$0xE640];
	_ =	sdelay $0x1  }
0x12f: {  	v13 =	vld [tilespmem:$0xE6C0];
	_ =	sdelay $0x2  }
0x130: {  	vm8 =	veq.s32 v52, $0x64  }
0x131: {  	v12 =	vsel vm8, $0x200, v1  }
0x132: {  	vm9 =	vlt.u32 v40, v8;
	v12 =	vadd.s32 v13, v12  }
0x133: {  	v12 =	vnsel vm9, $0x400, v12  }
0x134: {  	v53 =	vshll.u32 v12, $0x3  }
0x135: {  	v54 =	vand.u32 $0x7F, v12;
	v13 =	vand.u32 $0xFFFFFC00, v53  }
0x136: {  	v13 =	vor.u32 v54, v13  }
0x137: {  	v13 =	vadd.s32 v3, v13;
	_ =	sdelay $0x3  }
0x138: {  	[tilespmem:$0xE840] =	vst v12  }
0x139: {  	[tilespmem:v13+s10+$0x0] =	vst.idx.add.f32.msk $0xffff, v4  }
0x13a: {  	v55 =	vld [tilespmem:$0xE650];
	_ =	sdelay $0x1  }
0x13b: {  	v13 =	vld [tilespmem:$0xE6D0];
	_ =	sdelay $0x2  }
0x13c: {  	vm10 =	veq.s32 v55, $0x64  }
0x13d: {  	v12 =	vsel vm10, $0x200, v1  }
0x13e: {  	vm11 =	vlt.u32 v40, v9;
	v12 =	vadd.s32 v13, v12  }
0x13f: {  	v12 =	vnsel vm11, $0x400, v12  }
0x140: {  	v56 =	vshll.u32 v12, $0x3  }
0x141: {  	v57 =	vand.u32 $0x7F, v12;
	v13 =	vand.u32 $0xFFFFFC00, v56  }
0x142: {  	v13 =	vor.u32 v57, v13  }
0x143: {  	v13 =	vadd.s32 v3, v13;
	_ =	sdelay $0x3  }
0x144: {  	[tilespmem:$0xE850] =	vst v12  }
0x145: {  	[tilespmem:v13+s10+$0x0] =	vst.idx.add.f32.msk $0xffff, v4  }
0x146: {  	v58 =	vld [tilespmem:$0xE660];
	_ =	sdelay $0x1  }
0x147: {  	v13 =	vld [tilespmem:$0xE6E0];
	_ =	sdelay $0x2  }
0x148: {  	vm12 =	veq.s32 v58, $0x64  }
0x149: {  	v12 =	vsel vm12, $0x200, v1  }
0x14a: {  	vm13 =	vlt.u32 v40, v10;
	v12 =	vadd.s32 v13, v12  }
0x14b: {  	v12 =	vnsel vm13, $0x400, v12  }
0x14c: {  	v59 =	vshll.u32 v12, $0x3  }
0x14d: {  	v60 =	vand.u32 $0x7F, v12;
	v13 =	vand.u32 $0xFFFFFC00, v59  }
0x14e: {  	v13 =	vor.u32 v60, v13  }
0x14f: {  	v13 =	vadd.s32 v3, v13;
	_ =	sdelay $0x3  }
0x150: {  	[tilespmem:$0xE860] =	vst v12  }
0x151: {  	[tilespmem:v13+s10+$0x0] =	vst.idx.add.f32.msk $0xffff, v4  }
0x152: {  	v61 =	vld [tilespmem:$0xE670];
	_ =	sdelay $0x1  }
0x153: {  	v13 =	vld [tilespmem:$0xE6F0];
	_ =	sdelay $0x2  }
0x154: {  	vm14 =	veq.s32 v61, $0x64  }
0x155: {  	v12 =	vsel vm14, $0x200, v1  }
0x156: {  	vm15 =	vlt.u32 v40, v11;
	v12 =	vadd.s32 v13, v12  }
0x157: {  	v12 =	vnsel vm15, $0x400, v12  }
0x158: {  	v62 =	vshll.u32 v12, $0x3  }
0x159: {  	v63 =	vand.u32 $0x7F, v12;
	v13 =	vand.u32 $0xFFFFFC00, v62  }
0x15a: {  	v13 =	vor.u32 v63, v13  }
0x15b: {  	v13 =	vadd.s32 v3, v13  }
0x15c: {  	p0 =	sgt.u32 s5, $0x6  }
0x15d: {  	s1 =	sadd.s32 @!p0 s24, s7  }
0x15e: {  	s1 =	sadd.s32 @!p0 $0x80, s1  }
0x15f: {  	p1 =	slt.u32 @!p0 s1, $0x30D;
	[tilespmem:$0xE870] =	vst v12  }
0x160: {  	s1 =	sadd.s32 @!p0 $0x4000, s17;
	p1 =	por !p1, p0;
	[tilespmem:v13+s10+$0x0] =	vst.idx.add.f32.msk $0xffff, v4  }
0x161: {  	[spmem:s4] =	stream.indirect.scatter.add.f32 [tilespmem:s30], [sflag:$0x6], $0x80, s18, s11, $0xb8;
	[tilespmem:$0x14100] =	vst v63  }
0x162: {  	s1 =	simm.s32 @p1 $0x18620;
	_ =	swait.ge [sflag:s19], $0x4000  }
0x163: {  	s23 =	simm.s32 @!p0 $0x0;
	s17 =	sshrl.u32 @!p0 s1, $0x3;
	[sflag:s19] =	ssyncset.done $0x0  }
0x164: {  	s29 =	simm.s32 @!p0 $0xE500;
	s20 =	sadd.s32 @!p0 s2, s17;
	[sflag:s19] =	ssyncadd.s32 $0xFFFFC000  }
0x165: {  	[tilespmem:s29], [sflag:$0x2] =	stream.linear.gather @!p0 [hbm4b:s20+s23], $0x80, $0x38;
	[tilespmem:$0x14100] =	vst v63  }
0x166: {  	s1 =	sshll.u32 @!p0 s1, $0x4;
	s17 =	sadd.s32 @!p0 s3, s17;
	s20 =	simm.s32 @!p0 $0xE580  }
0x167: {  	[tilespmem:s20], [sflag:$0x2] =	stream.linear.gather @!p0 [hbm4b:s17+s23], $0x80, $0x38;
	[tilespmem:$0x14100] =	vst v63  }
0x168: {  	s24 =	sadd.s32 $0x60, s24;
	s1 =	sadd.s32 @!p0 s0, s1;
	s17 =	simm.s32 @!p0 $0x6400  }
0x169: {  	[tilespmem:s17], [sflag:$0x2] =	stream.linear.gather @!p0 [hbm4b:s1+s23], $0x4000, $0x38;
	[tilespmem:$0x14100] =	vst v63  }
0x16a: {  	p0 =	sne.s32 s24, $0x360  }
.Ltmp3:
0x16b: {  	_ = 	snop;
	(pc) =	sbr.rel @!p0 .LBB2_10-.Ltmp3, $2  }
0x16c: {  	_ =	sdelay $0x2  }
0x16d: {  	s5 =	sadd.s32 $0x1, s5;
	s17 =	smov.u32 s21  }
.LBB2_6:
0x16e: {  	_ =	swait.ge [sflag:s9], $0x80  }
0x16f: {  	[sflag:s9] =	ssyncset.done $0x0  }
0x170: {  	[sflag:s9] =	ssyncadd.s32 $0xFFFFFF80  }
0x171: {  	_ =	swait.ge [sflag:s9], $0x80  }
0x172: {  	[sflag:s9] =	ssyncset.done $0x0  }
0x173: {  	[sflag:s9] =	ssyncadd.s32 $0xFFFFFF80  }
0x174: {  	_ =	swait.ge [sflag:s9], $0x4000  }
0x175: {  	[sflag:s9] =	ssyncset.done $0x0  }
0x176: {  	[sflag:s9] =	ssyncadd.s32 $0xFFFFC000  }
0x177: {  	v12 =	vld [tilespmem:$0xE400];
	_ =	sdelay $0x1  }
0x178: {  	s21 =	sadd.s32 s24, s7;
	v13 =	vld [tilespmem:$0xE480]  }
0x179: {  	s1 =	simm.s32 $0x60;
	p0 =	seq.s32 s21, $0x30D  }
0x17a: {  	p1 =	slt.u32 s21, $0x30D;
	s1 =	simm.s32 @!p0 $0x80  }
0x17b: {  	s1 =	simm.s32 @p1 $0x0;
	vm0 =	veq.s32 v12, $0x64  }
0x17c: {  	v14 =	vmov s1;
	v12 =	vsel vm0, $0x200, v1  }
0x17d: {  	vm13 =	vlt.u32 v14, v2;
	v12 =	vadd.s32 v13, v12  }
0x17e: {  	v12 =	vnsel vm13, $0x400, v12  }
0x17f: {  	v42 =	vshll.u32 v12, $0x3  }
0x180: {  	v15 =	vand.u32 $0x7F, v12;
	v13 =	vand.u32 $0xFFFFFC00, v42  }
0x181: {  	v13 =	vor.u32 v15, v13  }
0x182: {  	v13 =	vadd.s32 v3, v13;
	_ =	sdelay $0x3  }
0x183: {  	[tilespmem:$0xE700] =	vst v12  }
0x184: {  	[tilespmem:v13+s10+$0x0] =	vst.idx.add.f32.msk $0xffff, v4  }
0x185: {  	v43 =	vld [tilespmem:$0xE410];
	_ =	sdelay $0x1  }
0x186: {  	v13 =	vld [tilespmem:$0xE490];
	_ =	sdelay $0x2  }
0x187: {  	vm14 =	veq.s32 v43, $0x64  }
0x188: {  	v12 =	vsel vm14, $0x200, v1  }
0x189: {  	vm15 =	vlt.u32 v14, v5;
	v12 =	vadd.s32 v13, v12  }
0x18a: {  	v12 =	vnsel vm15, $0x400, v12  }
0x18b: {  	v44 =	vshll.u32 v12, $0x3  }
0x18c: {  	v45 =	vand.u32 $0x7F, v12;
	v13 =	vand.u32 $0xFFFFFC00, v44  }
0x18d: {  	v13 =	vor.u32 v45, v13  }
0x18e: {  	v13 =	vadd.s32 v3, v13;
	_ =	sdelay $0x3  }
0x18f: {  	[tilespmem:$0xE710] =	vst v12  }
0x190: {  	[tilespmem:v13+s10+$0x0] =	vst.idx.add.f32.msk $0xffff, v4  }
0x191: {  	v46 =	vld [tilespmem:$0xE420];
	_ =	sdelay $0x1  }
0x192: {  	v13 =	vld [tilespmem:$0xE4A0];
	_ =	sdelay $0x2  }
0x193: {  	vm4 =	veq.s32 v46, $0x64  }
0x194: {  	v12 =	vsel vm4, $0x200, v1  }
0x195: {  	vm5 =	vlt.u32 v14, v6;
	v12 =	vadd.s32 v13, v12  }
0x196: {  	v12 =	vnsel vm5, $0x400, v12  }
0x197: {  	v47 =	vshll.u32 v12, $0x3  }
0x198: {  	v48 =	vand.u32 $0x7F, v12;
	v13 =	vand.u32 $0xFFFFFC00, v47  }
0x199: {  	v13 =	vor.u32 v48, v13  }
0x19a: {  	v13 =	vadd.s32 v3, v13;
	_ =	sdelay $0x3  }
0x19b: {  	[tilespmem:$0xE720] =	vst v12  }
0x19c: {  	[tilespmem:v13+s10+$0x0] =	vst.idx.add.f32.msk $0xffff, v4  }
0x19d: {  	v49 =	vld [tilespmem:$0xE430];
	_ =	sdelay $0x1  }
0x19e: {  	v13 =	vld [tilespmem:$0xE4B0];
	_ =	sdelay $0x2  }
0x19f: {  	vm6 =	veq.s32 v49, $0x64  }
0x1a0: {  	v12 =	vsel vm6, $0x200, v1  }
0x1a1: {  	vm7 =	vlt.u32 v14, v7;
	v12 =	vadd.s32 v13, v12  }
0x1a2: {  	v12 =	vnsel vm7, $0x400, v12  }
0x1a3: {  	v50 =	vshll.u32 v12, $0x3  }
0x1a4: {  	v51 =	vand.u32 $0x7F, v12;
	v13 =	vand.u32 $0xFFFFFC00, v50  }
0x1a5: {  	v13 =	vor.u32 v51, v13  }
0x1a6: {  	v13 =	vadd.s32 v3, v13;
	_ =	sdelay $0x3  }
0x1a7: {  	[tilespmem:$0xE730] =	vst v12  }
0x1a8: {  	[tilespmem:v13+s10+$0x0] =	vst.idx.add.f32.msk $0xffff, v4  }
0x1a9: {  	v52 =	vld [tilespmem:$0xE440];
	_ =	sdelay $0x1  }
0x1aa: {  	v13 =	vld [tilespmem:$0xE4C0];
	_ =	sdelay $0x2  }
0x1ab: {  	vm8 =	veq.s32 v52, $0x64  }
0x1ac: {  	v12 =	vsel vm8, $0x200, v1  }
0x1ad: {  	vm9 =	vlt.u32 v14, v8;
	v12 =	vadd.s32 v13, v12  }
0x1ae: {  	v12 =	vnsel vm9, $0x400, v12  }
0x1af: {  	v53 =	vshll.u32 v12, $0x3  }
0x1b0: {  	v54 =	vand.u32 $0x7F, v12;
	v13 =	vand.u32 $0xFFFFFC00, v53  }
0x1b1: {  	v13 =	vor.u32 v54, v13  }
0x1b2: {  	v13 =	vadd.s32 v3, v13;
	_ =	sdelay $0x3  }
0x1b3: {  	[tilespmem:$0xE740] =	vst v12  }
0x1b4: {  	[tilespmem:v13+s10+$0x0] =	vst.idx.add.f32.msk $0xffff, v4  }
0x1b5: {  	v55 =	vld [tilespmem:$0xE450];
	_ =	sdelay $0x1  }
0x1b6: {  	v13 =	vld [tilespmem:$0xE4D0];
	_ =	sdelay $0x2  }
0x1b7: {  	vm10 =	veq.s32 v55, $0x64  }
0x1b8: {  	v12 =	vsel vm10, $0x200, v1  }
0x1b9: {  	vm11 =	vlt.u32 v14, v9;
	v12 =	vadd.s32 v13, v12  }
0x1ba: {  	v12 =	vnsel vm11, $0x400, v12  }
0x1bb: {  	v56 =	vshll.u32 v12, $0x3  }
0x1bc: {  	v57 =	vand.u32 $0x7F, v12;
	v13 =	vand.u32 $0xFFFFFC00, v56  }
0x1bd: {  	v13 =	vor.u32 v57, v13  }
0x1be: {  	v13 =	vadd.s32 v3, v13;
	_ =	sdelay $0x3  }
0x1bf: {  	[tilespmem:$0xE750] =	vst v12  }
0x1c0: {  	[tilespmem:v13+s10+$0x0] =	vst.idx.add.f32.msk $0xffff, v4  }
0x1c1: {  	v58 =	vld [tilespmem:$0xE460];
	_ =	sdelay $0x1  }
0x1c2: {  	v13 =	vld [tilespmem:$0xE4E0];
	_ =	sdelay $0x2  }
0x1c3: {  	vm12 =	veq.s32 v58, $0x64  }
0x1c4: {  	v12 =	vsel vm12, $0x200, v1  }
0x1c5: {  	vm13 =	vlt.u32 v14, v10;
	v12 =	vadd.s32 v13, v12  }
0x1c6: {  	v12 =	vnsel vm13, $0x400, v12  }
0x1c7: {  	v59 =	vshll.u32 v12, $0x3  }
0x1c8: {  	v60 =	vand.u32 $0x7F, v12;
	v13 =	vand.u32 $0xFFFFFC00, v59  }
0x1c9: {  	v13 =	vor.u32 v60, v13  }
0x1ca: {  	v13 =	vadd.s32 v3, v13;
	_ =	sdelay $0x3  }
0x1cb: {  	[tilespmem:$0xE760] =	vst v12  }
0x1cc: {  	[tilespmem:v13+s10+$0x0] =	vst.idx.add.f32.msk $0xffff, v4  }
0x1cd: {  	v61 =	vld [tilespmem:$0xE470];
	_ =	sdelay $0x1  }
0x1ce: {  	v13 =	vld [tilespmem:$0xE4F0];
	_ =	sdelay $0x2  }
0x1cf: {  	vm14 =	veq.s32 v61, $0x64  }
0x1d0: {  	v12 =	vsel vm14, $0x200, v1  }
0x1d1: {  	vm15 =	vlt.u32 v14, v11;
	v12 =	vadd.s32 v13, v12  }
0x1d2: {  	v12 =	vnsel vm15, $0x400, v12  }
0x1d3: {  	v62 =	vshll.u32 v12, $0x3  }
0x1d4: {  	v63 =	vand.u32 $0x7F, v12;
	v13 =	vand.u32 $0xFFFFFC00, v62  }
0x1d5: {  	v13 =	vor.u32 v63, v13  }
0x1d6: {  	v13 =	vadd.s32 v3, v13  }
0x1d7: {  	p0 =	seq.s32 s24, $0x0  }
.Ltmp4:
0x1d8: {  	_ = 	snop;
	(pc) =	sbr.rel @p0 .LBB2_9-.Ltmp4, $4  }
0x1d9: {  	_ = 	snop  }
0x1da: {  	[tilespmem:$0xE770] =	vst v12  }
0x1db: {  	s20 =	smov.u32 s8;
	[tilespmem:v13+s10+$0x0] =	vst.idx.add.f32.msk $0xffff, v4  }
0x1dc: {  	[spmem:s4] =	stream.indirect.scatter.add.f32 [tilespmem:s28], [sflag:$0x4], $0x80, s12, s11, $0xb8;
	[tilespmem:$0x14100] =	vst v63  }
0x1dd: {  	p0 =	seq.s32 s24, $0x300  }
.Ltmp5:
0x1de: {  	_ = 	snop;
	(pc) =	sbr.rel @!p0 .LBB2_8-.Ltmp5, $4  }
0x1df: {  	_ = 	snop  }
0x1e0: {  	_ =	swait.ge [sflag:s22], $0x4000  }
0x1e1: {  	[sflag:s22] =	ssyncset.done $0x0  }
0x1e2: {  	[sflag:s22] =	ssyncadd.s32 $0xFFFFC000  }
.LBB2_10:
0x1e3: {  	_ =	swait.ge [sflag:s15], $0x4000  }
0x1e4: {  	s1 =	simm.s32 $0x0;
	[sflag:s15] =	ssyncset.done $0x0  }
0x1e5: {  	s5 =	sand.u32 $0x70, s1;
	s1 =	sand.u32 $0x3C00, s1;
	[sflag:s15] =	ssyncadd.s32 $0xFFFFC000  }
0x1e6: {  	s1 =	sor.u32 s5, s1;
	[bflag:$0x0] =	sbarrier.arrive $0xFFFF  }
0x1e7: {  	v12 =	vld [tilespmem:s1+$0xE900]  }
0x1e8: {  	v13 =	vld [tilespmem:s1+$0xE880];
	_ =	sdelay $0x1  }
0x1e9: {  	v14 =	vld [tilespmem:s1+$0xE980];
	_ =	sdelay $0x1  }
0x1ea: {  	v15 =	vld [tilespmem:s1+$0xEA00]  }
0x1eb: {  	v12 =	vadd.f32 v12, v13  }
0x1ec: {  	v52 =	vld [tilespmem:s1+$0xEA80]  }
0x1ed: {  	v12 =	vadd.f32 v14, v12  }
0x1ee: {  	v53 =	vld [tilespmem:s1+$0xEB00]  }
0x1ef: {  	v12 =	vadd.f32 v15, v12  }
0x1f0: {  	v54 =	vld [tilespmem:s1+$0xEB80]  }
0x1f1: {  	v12 =	vadd.f32 v52, v12  }
0x1f2: {  	v55 =	vld [tilespmem:s1+$0xEC00]  }
0x1f3: {  	v12 =	vadd.f32 v53, v12  }
0x1f4: {  	v56 =	vld [tilespmem:s1+$0x10C80]  }
0x1f5: {  	v12 =	vadd.f32 v54, v12  }
0x1f6: {  	v57 =	vld [tilespmem:s1+$0x10D00]  }
0x1f7: {  	v12 =	vadd.f32 v55, v12  }
0x1f8: {  	v58 =	vld [tilespmem:s1+$0x10D80]  }
0x1f9: {  	v12 =	vadd.f32 v56, v12  }
0x1fa: {  	v59 =	vld [tilespmem:s1+$0x10E00]  }
0x1fb: {  	v12 =	vadd.f32 v57, v12  }
0x1fc: {  	v60 =	vld [tilespmem:s1+$0x10E80]  }
0x1fd: {  	v12 =	vadd.f32 v58, v12  }
0x1fe: {  	v61 =	vld [tilespmem:s1+$0x10F00]  }
0x1ff: {  	v12 =	vadd.f32 v59, v12  }
0x200: {  	v62 =	vld [tilespmem:s1+$0x10F80]  }
0x201: {  	v12 =	vadd.f32 v60, v12  }
0x202: {  	v63 =	vld [tilespmem:s1+$0x11000]  }
0x203: {  	v12 =	vadd.f32 v61, v12;
	_ =	sdelay $0x1  }
0x204: {  	v12 =	vadd.f32 v62, v12;
	_ =	sdelay $0x1  }
0x205: {  	s29 =	simm.s32 $0x10;
	s20 =	simm.s32 $0x80;
	v12 =	vadd.f32 v63, v12  }
0x206: {  	s17 =	sand.u32 $0x3C00, s20;
	s5 =	simm.s32 $0x13080;
	s1 =	sand.u32 $0x70, s29  }
0x207: {  	s21 =	simm.s32 $0x20;
	s17 =	sor.u32 s1, s17;
	[tilespmem:s5+$0x0] =	vst v12  }
.LBB2_11:
0x208: {  	p0 =	sne.s32 s21, $0x470;
	v12 =	vld [tilespmem:s17+$0xE900]  }
0x209: {  	v13 =	vld [tilespmem:s17+$0xE880];
	_ =	sdelay $0x1  }
0x20a: {  	v14 =	vld [tilespmem:s17+$0xE980];
	_ =	sdelay $0x1  }
0x20b: {  	v15 =	vld [tilespmem:s17+$0xEA00]  }
0x20c: {  	v12 =	vadd.f32 v12, v13  }
0x20d: {  	v13 =	vld [tilespmem:s17+$0xEA80]  }
0x20e: {  	v12 =	vadd.f32 v14, v12  }
0x20f: {  	v14 =	vld [tilespmem:s17+$0xEB00]  }
0x210: {  	v12 =	vadd.f32 v15, v12  }
0x211: {  	v15 =	vld [tilespmem:s17+$0xEB80]  }
0x212: {  	v12 =	vadd.f32 v13, v12  }
0x213: {  	v13 =	vld [tilespmem:s17+$0xEC00]  }
0x214: {  	v12 =	vadd.f32 v14, v12  }
0x215: {  	v14 =	vld [tilespmem:s17+$0x10C80]  }
0x216: {  	v12 =	vadd.f32 v15, v12  }
0x217: {  	v15 =	vld [tilespmem:s17+$0x10D00]  }
0x218: {  	v12 =	vadd.f32 v13, v12  }
0x219: {  	v13 =	vld [tilespmem:s17+$0x10D80]  }
0x21a: {  	v12 =	vadd.f32 v14, v12  }
0x21b: {  	v14 =	vld [tilespmem:s17+$0x10E00]  }
0x21c: {  	v12 =	vadd.f32 v15, v12  }
0x21d: {  	v15 =	vld [tilespmem:s17+$0x10E80]  }
0x21e: {  	v12 =	vadd.f32 v13, v12  }
0x21f: {  	v13 =	vld [tilespmem:s17+$0x10F00]  }
0x220: {  	v12 =	vadd.f32 v14, v12  }
0x221: {  	v14 =	vld [tilespmem:s17+$0x10F80]  }
0x222: {  	v12 =	vadd.f32 v15, v12  }
0x223: {  	v15 =	vld [tilespmem:s17+$0x11000]  }
0x224: {  	v12 =	vadd.f32 v13, v12;
	_ =	sdelay $0x1  }
.Ltmp6:
0x225: {  	v12 =	vadd.f32 v14, v12;
	(pc) =	sbr.rel @p0 .LBB2_11-.Ltmp6, $4  }
0x226: {  	_ = 	snop  }
0x227: {  	s20 =	sadd.s32 $0x80, s20;
	v12 =	vadd.f32 v15, v12  }
0x228: {  	s1 =	sand.u32 $0x70, s21;
	s5 =	sadd.s32 $0x10, s5;
	s17 =	sand.u32 $0x3C00, s20  }
0x229: {  	s21 =	sadd.s32 $0x10, s21;
	s17 =	sor.u32 s1, s17;
	[tilespmem:s5+$0x0] =	vst v12  }
0x22a: {  	v12 =	vld [tilespmem:s17+$0xE900]  }
0x22b: {  	v13 =	vld [tilespmem:s17+$0xE880];
	_ =	sdelay $0x1  }
0x22c: {  	v14 =	vld [tilespmem:s17+$0xE980];
	_ =	sdelay $0x1  }
0x22d: {  	v15 =	vld [tilespmem:s17+$0xEA00]  }
0x22e: {  	v12 =	vadd.f32 v12, v13  }
0x22f: {  	v52 =	vld [tilespmem:s17+$0xEA80]  }
0x230: {  	v12 =	vadd.f32 v14, v12  }
0x231: {  	v53 =	vld [tilespmem:s17+$0xEB00]  }
0x232: {  	v12 =	vadd.f32 v15, v12  }
0x233: {  	v54 =	vld [tilespmem:s17+$0xEB80]  }
0x234: {  	v12 =	vadd.f32 v52, v12  }
0x235: {  	v55 =	vld [tilespmem:s17+$0xEC00]  }
0x236: {  	v12 =	vadd.f32 v53, v12  }
0x237: {  	v56 =	vld [tilespmem:s17+$0x10C80]  }
0x238: {  	v12 =	vadd.f32 v54, v12  }
0x239: {  	v57 =	vld [tilespmem:s17+$0x10D00]  }
0x23a: {  	v12 =	vadd.f32 v55, v12  }
0x23b: {  	v58 =	vld [tilespmem:s17+$0x10D80]  }
0x23c: {  	v12 =	vadd.f32 v56, v12  }
0x23d: {  	v59 =	vld [tilespmem:s17+$0x10E00]  }
0x23e: {  	v12 =	vadd.f32 v57, v12  }
0x23f: {  	v60 =	vld [tilespmem:s17+$0x10E80]  }
0x240: {  	v12 =	vadd.f32 v58, v12  }
0x241: {  	v61 =	vld [tilespmem:s17+$0x10F00]  }
0x242: {  	v12 =	vadd.f32 v59, v12  }
0x243: {  	v62 =	vld [tilespmem:s17+$0x10F80]  }
0x244: {  	v12 =	vadd.f32 v60, v12  }
0x245: {  	v63 =	vld [tilespmem:s17+$0x11000]  }
0x246: {  	v12 =	vadd.f32 v61, v12;
	_ =	sdelay $0x1  }
0x247: {  	v12 =	vadd.f32 v62, v12;
	_ =	sdelay $0x1  }
0x248: {  	s23 =	stileid.u32;
	s29 =	rddreg [dreg:$0x10];
	v12 =	vadd.f32 v63, v12  }
0x249: {  	s1 =	sadd.s32 $0x10, s5;
	s14 =	rddreg [dreg:$0x13];
	s5 =	sshll.u32 s23, $0x6  }
0x24a: {  	s20 =	simm.s32 $0x8;
	s24 =	sor.u32 $0x1C08, s5;
	s5 =	sshrl.u32 s29, $0x3;
	[tilespmem:s1+$0x0] =	vst v12  }
0x24b: {  	[hbm:s14], [sflag:s24] =	dma.local [spmem:s5], $0x480  }
0x24c: {  	_ =	swait.ge [sflag:s20], $0x480  }
0x24d: {  	s23 =	simm.s32 $0x13080;
	[sflag:s20] =	ssyncset.done $0x0  }
0x24e: {  	s14 =	simm.s32 $0x400;
	s21 =	rddreg [dreg:$0x14];
	[sflag:s20] =	ssyncadd.s32 $0xFFFFFB80  }
0x24f: {  	[hbm4b:s21+s11] =	stream.strided.scatter [tilespmem:s23], [sflag:$0x8], $0x480, s14, s11, $0x38;
	[tilespmem:$0x14100] =	vst v63  }
0x250: {  	_ =	swait.ge [sflag:s20], $0x480  }
0x251: {  	s24 =	rddreg [dreg:$0x17]  }
0x252: {  	s29 =	rddreg [dreg:$0x15];
	s14 =	sadd.s32 $0x1, s24  }
0x253: {  	p0 =	sne.s32 s14, s29  }
.Ltmp7:
0x254: {  	_ = 	snop;
	(pc) =	sbr.rel @p0 .LBB2_1-.Ltmp7, $3  }
0x255: {  	_ =	sdelay $0x1  }
0x256: {  	[sflag:s20] =	ssyncset.done $0x0  }
0x257: {  	[sflag:s20] =	ssyncadd.s32 $0xFFFFFB80  }
0x258: {  	_ =	sfence.sel $0x180000  }
0x259: {  	[bflag:$0x0] =	sbarrier.arrive $0xFFFF  }
0x25a: {  	_ =	strace $0x90000047  }
0x25b: {  	s0 =	stileid.u32;
	[bflag:$0x2] =	sbarrier.arrive $0xFFFF  }
0x25c: {  	p0 =	sne.s32 s0, $0x0;
	s0 =	rddreg [dreg:$0x6]  }
0x25d: {  	s0 =	sadd.s32 @!p0 $0x100000, s0  }
0x25e: {  	[sflag:s0] =	ssyncadd.tile.s32 @!p0 $0x1;
	_ =	shalt  }
.Lfunc_end2:
_tile_overlayer_lowered:
.L_overlay_start_2:
0x25f: {  	(tag) =	ssettag $0x2  }
0x260: {  	s0 =	rddreg [dreg:$0x0];
	s2 =	stileid.u32  }
0x261: {  	s1 =	rddreg [dreg:$0x1];
	p0 =	sne.s32 s2, $0x0  }
0x262: {  	s3 =	rddreg [dreg:$0x2];
	[bflag:$0x3] =	sbarrier.arrive $0xFFFF;
	s2 =	simm.s32 @!p0 $0x1C08  }
0x263: {  	[timem:s3], [sflag:s2] =	dma.local @!p0 [hbm:s0], s1  }
0x264: {  	s0 =	simm.s32 @!p0 $0x8  }
0x265: {  	_ =	swait.ge @!p0 [sflag:s0], s1  }
0x266: {  	s1 =	ssub.s32 @!p0 $0x0, s1;
	[sflag:s0] =	ssyncset.done @!p0 $0x0  }
0x267: {  	[sflag:s0] =	ssyncadd.s32 @!p0 s1  }
0x268: {  	[bflag:$0x3] =	sbarrier.arrive $0xFFFF  }
0x269: {  	_ =	shalt  }

</sc_bundles>
